<compile_context>
chip_gen: v7x
topology: tpu7x:2x2x1
jax: 0.10.2.dev20260603
libtpu: 0.0.44.dev20260713+nightly
codegen_flags: <defaults>
</compile_context>

<pallas_src>
import functools

import jax
import jax.numpy as jnp
from jax import lax
from jax.experimental import pallas as pl
from jax.experimental.pallas import tpu as pltpu
from jax.experimental.pallas import tpu_sc as plsc

_LANES = 16


@functools.lru_cache(maxsize=None)
def _build(P, C, NP):
    info = plsc.get_sparse_core_info()
    NC, NS = info.num_cores, info.num_subcores
    NW = NC * NS
    assert P % (NW * NP) == 0 and C % _LANES == 0
    rows_per_worker = P // NW
    nblocks = rows_per_worker // NP
    assert nblocks % 2 == 0 and nblocks >= 4
    nchunks = C // _LANES
    BLK = NP * C

    mesh = plsc.VectorSubcoreMesh(core_axis_name="c", subcore_axis_name="s")

    @functools.partial(
        pl.kernel,
        mesh=mesh,
        compiler_params=pltpu.CompilerParams(needs_layout_passes=False),
        out_type=jax.ShapeDtypeStruct((P * C,), jnp.float32),
        scratch_types=[
            pltpu.VMEM((BLK,), jnp.float32),
            pltpu.VMEM((BLK,), jnp.int32),
            pltpu.VMEM((BLK,), jnp.float32),
            pltpu.VMEM((BLK,), jnp.float32),
            pltpu.VMEM((BLK,), jnp.int32),
            pltpu.VMEM((BLK,), jnp.float32),
            pltpu.SemaphoreType.DMA,
            pltpu.SemaphoreType.DMA,
            pltpu.SemaphoreType.DMA,
            pltpu.SemaphoreType.DMA,
        ],
    )
    def k(img_hbm, perm_hbm, out_hbm,
          img0, perm0, out0, img1, perm1, out1,
          semi0, semi1, semo0, semo1):
        wid = lax.axis_index("s") * NC + lax.axis_index("c")
        base = wid * rows_per_worker * C
        bufs = ((img0, perm0, out0, semi0, semo0),
                (img1, perm1, out1, semi1, semo1))

        def start_in(b, buf):
            img_v, perm_v, _, semi, _ = buf
            e0 = base + b * BLK
            pltpu.async_copy(img_hbm.at[pl.ds(e0, BLK)], img_v, semi)
            pltpu.async_copy(perm_hbm.at[pl.ds(e0, BLK)], perm_v, semi)

        def wait_in(buf):
            img_v, perm_v, _, semi, _ = buf
            pltpu.make_async_copy(img_hbm.at[pl.ds(base, BLK)], img_v, semi).wait()
            pltpu.make_async_copy(perm_hbm.at[pl.ds(base, BLK)], perm_v, semi).wait()

        def start_out(b, buf):
            out_v, semo = buf[2], buf[4]
            e0 = base + b * BLK
            pltpu.async_copy(out_v, out_hbm.at[pl.ds(e0, BLK)], semo)

        def wait_out(buf):
            out_v, semo = buf[2], buf[4]
            pltpu.make_async_copy(out_v, out_hbm.at[pl.ds(base, BLK)], semo).wait()

        def compute(buf):
            img_v, perm_v, out_v = buf[0], buf[1], buf[2]

            def pix(i, c):
                basei = i * C
                off = jnp.full((_LANES,), basei, jnp.int32)
                for j in range(nchunks):
                    sl = pl.ds(basei + j * _LANES, _LANES)
                    out_v[sl] = plsc.load_gather(img_v, [perm_v[sl] + off])
                return c

            lax.fori_loop(0, NP, pix, 0)

        start_in(0, bufs[0])

        @pl.loop(0, nblocks, step=2)
        def outer(b0):
            for r in range(2):
                b = b0 + r
                buf = bufs[r]

                @pl.when(b + 1 < nblocks)
                def _():
                    start_in(b + 1, bufs[1 - r])

                @pl.when(b >= 2)
                def _():
                    wait_out(buf)

                wait_in(buf)
                compute(buf)
                start_out(b, buf)

        wait_out(bufs[0])
        wait_out(bufs[1])

    return k


def kernel(image, perm):
    W, H, C = image.shape
    P = W * H
    img1 = image.reshape(P * C)
    perm1 = perm.reshape(P * C)
    out1 = _build(P, C, 48)(img1, perm1)
    return out1.reshape(W, H, C)

# --- scband reference (transcript-rebuilt; emitter-appended) ---
"""Pipeline reference for scband-per-pixel-channel-permutation-11974368821258 (READ-ONLY COPY).

The authoritative reference and input builder live on the scoring server;
editing this copy changes nothing except your own understanding.
"""

import jax, jax.numpy as jnp
import numpy as np

W, H, C = 384, 384, 384

def setup_inputs(seed: int = 0) -> dict:
    key = jax.random.key(seed)
    k1, k2 = jax.random.split(key)
    image = jax.random.normal(k1, (W, H, C), dtype=jnp.float32)
    # Per-pixel random channel permutation indices (faithful to np.random.permutation(c)
    # applied independently at every (i, j) pixel). argsort of iid uniforms along the
    # channel axis yields an independent uniform permutation per pixel.
    u = jax.random.uniform(k2, (W, H, C), dtype=jnp.float32)
    perm = jnp.argsort(u, axis=-1).astype(jnp.int32)
    return {"image": image, "perm": perm}

def reference(image, perm):
    # image[i, j, :] = image[i, j, perm[i, j, :]] for every pixel -> gather along channels
    return jnp.take_along_axis(image, perm, axis=-1)

if __name__ == "__main__":
    import jax
    _d = setup_inputs()
    print(jax.jit(kernel)(*tuple(_d.values())))

</pallas_src>

<mosaic_0001>
#map = affine_map<(d0, d1) -> (0)>
module attributes {stable_mosaic.version = 14 : i64} {
  func.func @k(%arg0: i32, %arg1: i32, %arg2: memref<56623104xf32, #tpu.memory_space<hbm>>, %arg3: memref<56623104xi32, #tpu.memory_space<hbm>>, %arg4: memref<56623104xf32, #tpu.memory_space<hbm>>, %arg5: memref<18432xf32, #tpu.memory_space<vmem>>, %arg6: memref<18432xi32, #tpu.memory_space<vmem>>, %arg7: memref<18432xf32, #tpu.memory_space<vmem>>, %arg8: memref<18432xf32, #tpu.memory_space<vmem>>, %arg9: memref<18432xi32, #tpu.memory_space<vmem>>, %arg10: memref<18432xf32, #tpu.memory_space<vmem>>, %arg11: memref<!tpu.dma_semaphore, #tpu.memory_space<semaphore_mem>>, %arg12: memref<!tpu.dma_semaphore, #tpu.memory_space<semaphore_mem>>, %arg13: memref<!tpu.dma_semaphore, #tpu.memory_space<semaphore_mem>>, %arg14: memref<!tpu.dma_semaphore, #tpu.memory_space<semaphore_mem>>) attributes {dimension_semantics = [#tpu.dimension_semantics<core_parallel>, #tpu.dimension_semantics<subcore_parallel>], iteration_bounds = array<i64: 2, 16>, scalar_prefetch = 0 : i64, scratch_operands = 10 : i64, tpu.core_type = #tpu.core_type<sc_vector_subcore>, window_params = [{transform_indices = #map}, {transform_indices = #map}, {transform_indices = #map}]} {
    %mul3A = arith.constant 2 : i32
    %mul3A_0 = arith.muli %arg1, %mul3A : i32
    %add3A = arith.addi %mul3A_0, %arg0 : i32
    %mul3A_1 = arith.constant 4608 : i32
    %mul3A_2 = arith.muli %add3A, %mul3A_1 : i32
    %mul3A_3 = arith.constant 384 : i32
    %mul3A_4 = arith.muli %mul3A_2, %mul3A_3 : i32
    %add3A_5 = arith.constant 0 : i32
    %add3A_6 = arith.addi %mul3A_4, %add3A_5 : i32
    %dma_start3A = tpu.memref_slice %arg2[%add3A_6] : memref<56623104xf32, #tpu.memory_space<hbm>> -> memref<18432xf32, #tpu.memory_space<hbm>>
    %dma_start3A_7 = tpu.memref_slice %arg2[%add3A_6] : memref<56623104xf32, #tpu.memory_space<hbm>> -> memref<18432xf32, #tpu.memory_space<hbm>>
    tpu.enqueue_dma source(%dma_start3A_7 : memref<18432xf32, #tpu.memory_space<hbm>>) target(%arg5 : memref<18432xf32, #tpu.memory_space<vmem>>) target_semaphore(%arg11 : memref<!tpu.dma_semaphore, #tpu.memory_space<semaphore_mem>>)
    %dma_start3A_8 = tpu.memref_slice %arg3[%add3A_6] : memref<56623104xi32, #tpu.memory_space<hbm>> -> memref<18432xi32, #tpu.memory_space<hbm>>
    %dma_start3A_9 = tpu.memref_slice %arg3[%add3A_6] : memref<56623104xi32, #tpu.memory_space<hbm>> -> memref<18432xi32, #tpu.memory_space<hbm>>
    tpu.enqueue_dma source(%dma_start3A_9 : memref<18432xi32, #tpu.memory_space<hbm>>) target(%arg6 : memref<18432xi32, #tpu.memory_space<vmem>>) target_semaphore(%arg11 : memref<!tpu.dma_semaphore, #tpu.memory_space<semaphore_mem>>)
    %scan3A = arith.constant 0 : i32
    %scan3A_10 = arith.constant 48 : i32
    %scan3A_11 = arith.addi %scan3A, %scan3A_10 : i32
    %scan3A_12 = arith.constant 1 : i32
    scf.for %scan3A_17 = %scan3A to %scan3A_11 step %scan3A_12  : i32 {
      %mul3A_18 = arith.constant 2 : i32
      %mul3A_19 = arith.muli %scan3A_17, %mul3A_18 : i32
      %add3A_20 = arith.constant 0 : i32
      %add3A_21 = arith.addi %add3A_20, %mul3A_19 : i32
      %add3A_22 = arith.constant 0 : i32
      %add3A_23 = arith.addi %add3A_21, %add3A_22 : i32
      %add3A_24 = arith.constant 1 : i32
      %add3A_25 = arith.addi %add3A_23, %add3A_24 : i32
      %lt3A = arith.constant 96 : i32
      %lt3A_26 = arith.cmpi slt, %add3A_25, %lt3A : i32
      %convert_element_type3A = arith.extui %lt3A_26 : i1 to i32
      %cond3A = arith.constant 0 : i32
      %cond3A_27 = arith.cmpi ne, %convert_element_type3A, %cond3A : i32
      scf.if %cond3A_27 {
        %add3A_76 = arith.constant 1 : i32
        %add3A_77 = arith.addi %add3A_23, %add3A_76 : i32
        %mul3A_78 = arith.constant 18432 : i32
        %mul3A_79 = arith.muli %add3A_77, %mul3A_78 : i32
        %add3A_80 = arith.addi %mul3A_4, %mul3A_79 : i32
        %dma_start3A_81 = tpu.memref_slice %arg2[%add3A_80] : memref<56623104xf32, #tpu.memory_space<hbm>> -> memref<18432xf32, #tpu.memory_space<hbm>>
        %dma_start3A_82 = tpu.memref_slice %arg2[%add3A_80] : memref<56623104xf32, #tpu.memory_space<hbm>> -> memref<18432xf32, #tpu.memory_space<hbm>>
        tpu.enqueue_dma source(%dma_start3A_82 : memref<18432xf32, #tpu.memory_space<hbm>>) target(%arg8 : memref<18432xf32, #tpu.memory_space<vmem>>) target_semaphore(%arg12 : memref<!tpu.dma_semaphore, #tpu.memory_space<semaphore_mem>>)
        %dma_start3A_83 = tpu.memref_slice %arg3[%add3A_80] : memref<56623104xi32, #tpu.memory_space<hbm>> -> memref<18432xi32, #tpu.memory_space<hbm>>
        %dma_start3A_84 = tpu.memref_slice %arg3[%add3A_80] : memref<56623104xi32, #tpu.memory_space<hbm>> -> memref<18432xi32, #tpu.memory_space<hbm>>
        tpu.enqueue_dma source(%dma_start3A_84 : memref<18432xi32, #tpu.memory_space<hbm>>) target(%arg9 : memref<18432xi32, #tpu.memory_space<vmem>>) target_semaphore(%arg12 : memref<!tpu.dma_semaphore, #tpu.memory_space<semaphore_mem>>)
      } else {
      }
      %ge3A = arith.constant 2 : i32
      %ge3A_28 = arith.cmpi sge, %add3A_23, %ge3A : i32
      %convert_element_type3A_29 = arith.extui %ge3A_28 : i1 to i32
      %cond3A_30 = arith.constant 0 : i32
      %cond3A_31 = arith.cmpi ne, %convert_element_type3A_29, %cond3A_30 : i32
      scf.if %cond3A_31 {
        %dma_wait3A_76 = tpu.memref_slice %arg4[%mul3A_4] : memref<56623104xf32, #tpu.memory_space<hbm>> -> memref<18432xf32, #tpu.memory_space<hbm>>
        %dma_wait3A_77 = tpu.memref_slice %arg4[%mul3A_4] : memref<56623104xf32, #tpu.memory_space<hbm>> -> memref<18432xf32, #tpu.memory_space<hbm>>
        tpu.wait_dma2 semaphore(%arg13 : memref<!tpu.dma_semaphore, #tpu.memory_space<semaphore_mem>>) src(%arg7 : memref<18432xf32, #tpu.memory_space<vmem>>) dst(%dma_wait3A_77 : memref<18432xf32, #tpu.memory_space<hbm>>)
      } else {
      }
      %dma_wait3A_32 = tpu.memref_slice %arg2[%mul3A_4] : memref<56623104xf32, #tpu.memory_space<hbm>> -> memref<18432xf32, #tpu.memory_space<hbm>>
      %dma_wait3A_33 = tpu.memref_slice %arg2[%mul3A_4] : memref<56623104xf32, #tpu.memory_space<hbm>> -> memref<18432xf32, #tpu.memory_space<hbm>>
      tpu.wait_dma2 semaphore(%arg11 : memref<!tpu.dma_semaphore, #tpu.memory_space<semaphore_mem>>) src(%dma_wait3A_33 : memref<18432xf32, #tpu.memory_space<hbm>>) dst(%arg5 : memref<18432xf32, #tpu.memory_space<vmem>>)
      %dma_wait3A_34 = tpu.memref_slice %arg3[%mul3A_4] : memref<56623104xi32, #tpu.memory_space<hbm>> -> memref<18432xi32, #tpu.memory_space<hbm>>
      %dma_wait3A_35 = tpu.memref_slice %arg3[%mul3A_4] : memref<56623104xi32, #tpu.memory_space<hbm>> -> memref<18432xi32, #tpu.memory_space<hbm>>
      tpu.wait_dma2 semaphore(%arg11 : memref<!tpu.dma_semaphore, #tpu.memory_space<semaphore_mem>>) src(%dma_wait3A_35 : memref<18432xi32, #tpu.memory_space<hbm>>) dst(%arg6 : memref<18432xi32, #tpu.memory_space<vmem>>)
      %scan3A_36 = arith.constant 0 : i32
      %scan3A_37 = arith.constant 0 : i32
      %scan3A_38 = arith.constant 48 : i32
      %scan3A_39 = arith.addi %scan3A_37, %scan3A_38 : i32
      %scan3A_40 = arith.constant 1 : i32
      scf.for %scan3A_76 = %scan3A_37 to %scan3A_39 step %scan3A_40  : i32 {
        %mul3A_77 = arith.constant 384 : i32
        %mul3A_78 = arith.muli %scan3A_76, %mul3A_77 : i32
        %broadcast_in_dim3A = vector.broadcast %mul3A_78 : i32 to vector<16xi32>
        %add3A_79 = arith.constant 0 : i32
        %add3A_80 = arith.addi %mul3A_78, %add3A_79 : i32
        %get3A = arith.index_cast %add3A_80 : i32 to index
        %get3A_81 = tpu.vector_load %arg6[%get3A] {strides = array<i32>} : memref<18432xi32, #tpu.memory_space<vmem>>, vector<16xi32>,
        %add3A_82 = arith.addi %get3A_81, %broadcast_in_dim3A : vector<16xi32>
        %gather3A = tpu.vector_load_idx %arg5[%add3A_82] : memref<18432xf32, #tpu.memory_space<vmem>>[vector<16xi32>], vector<16xf32>,
        %swap3A = arith.index_cast %add3A_80 : i32 to index
        %swap3A_83 = tpu.vector_load %arg7[%swap3A] {strides = array<i32>} : memref<18432xf32, #tpu.memory_space<vmem>>, vector<16xf32>,
        tpu.vector_store %arg7[%swap3A], %gather3A {strides = array<i32>} : memref<18432xf32, #tpu.memory_space<vmem>>, vector<16xf32>,
        %add3A_84 = arith.constant 16 : i32
        %add3A_85 = arith.addi %mul3A_78, %add3A_84 : i32
        %get3A_86 = arith.index_cast %add3A_85 : i32 to index
        %get3A_87 = tpu.vector_load %arg6[%get3A_86] {strides = array<i32>} : memref<18432xi32, #tpu.memory_space<vmem>>, vector<16xi32>,
        %add3A_88 = arith.addi %get3A_87, %broadcast_in_dim3A : vector<16xi32>
        %gather3A_89 = tpu.vector_load_idx %arg5[%add3A_88] : memref<18432xf32, #tpu.memory_space<vmem>>[vector<16xi32>], vector<16xf32>,
        %swap3A_90 = arith.index_cast %add3A_85 : i32 to index
        %swap3A_91 = tpu.vector_load %arg7[%swap3A_90] {strides = array<i32>} : memref<18432xf32, #tpu.memory_space<vmem>>, vector<16xf32>,
        tpu.vector_store %arg7[%swap3A_90], %gather3A_89 {strides = array<i32>} : memref<18432xf32, #tpu.memory_space<vmem>>, vector<16xf32>,
        %add3A_92 = arith.constant 32 : i32
        %add3A_93 = arith.addi %mul3A_78, %add3A_92 : i32
        %get3A_94 = arith.index_cast %add3A_93 : i32 to index
        %get3A_95 = tpu.vector_load %arg6[%get3A_94] {strides = array<i32>} : memref<18432xi32, #tpu.memory_space<vmem>>, vector<16xi32>,
        %add3A_96 = arith.addi %get3A_95, %broadcast_in_dim3A : vector<16xi32>
        %gather3A_97 = tpu.vector_load_idx %arg5[%add3A_96] : memref<18432xf32, #tpu.memory_space<vmem>>[vector<16xi32>], vector<16xf32>,
        %swap3A_98 = arith.index_cast %add3A_93 : i32 to index
        %swap3A_99 = tpu.vector_load %arg7[%swap3A_98] {strides = array<i32>} : memref<18432xf32, #tpu.memory_space<vmem>>, vector<16xf32>,
        tpu.vector_store %arg7[%swap3A_98], %gather3A_97 {strides = array<i32>} : memref<18432xf32, #tpu.memory_space<vmem>>, vector<16xf32>,
        %add3A_100 = arith.constant 48 : i32
        %add3A_101 = arith.addi %mul3A_78, %add3A_100 : i32
        %get3A_102 = arith.index_cast %add3A_101 : i32 to index
        %get3A_103 = tpu.vector_load %arg6[%get3A_102] {strides = array<i32>} : memref<18432xi32, #tpu.memory_space<vmem>>, vector<16xi32>,
        %add3A_104 = arith.addi %get3A_103, %broadcast_in_dim3A : vector<16xi32>
        %gather3A_105 = tpu.vector_load_idx %arg5[%add3A_104] : memref<18432xf32, #tpu.memory_space<vmem>>[vector<16xi32>], vector<16xf32>,
        %swap3A_106 = arith.index_cast %add3A_101 : i32 to index
        %swap3A_107 = tpu.vector_load %arg7[%swap3A_106] {strides = array<i32>} : memref<18432xf32, #tpu.memory_space<vmem>>, vector<16xf32>,
        tpu.vector_store %arg7[%swap3A_106], %gather3A_105 {strides = array<i32>} : memref<18432xf32, #tpu.memory_space<vmem>>, vector<16xf32>,
        %add3A_108 = arith.constant 64 : i32
        %add3A_109 = arith.addi %mul3A_78, %add3A_108 : i32
        %get3A_110 = arith.index_cast %add3A_109 : i32 to index
        %get3A_111 = tpu.vector_load %arg6[%get3A_110] {strides = array<i32>} : memref<18432xi32, #tpu.memory_space<vmem>>, vector<16xi32>,
        %add3A_112 = arith.addi %get3A_111, %broadcast_in_dim3A : vector<16xi32>
        %gather3A_113 = tpu.vector_load_idx %arg5[%add3A_112] : memref<18432xf32, #tpu.memory_space<vmem>>[vector<16xi32>], vector<16xf32>,
        %swap3A_114 = arith.index_cast %add3A_109 : i32 to index
        %swap3A_115 = tpu.vector_load %arg7[%swap3A_114] {strides = array<i32>} : memref<18432xf32, #tpu.memory_space<vmem>>, vector<16xf32>,
        tpu.vector_store %arg7[%swap3A_114], %gather3A_113 {strides = array<i32>} : memref<18432xf32, #tpu.memory_space<vmem>>, vector<16xf32>,
        %add3A_116 = arith.constant 80 : i32
        %add3A_117 = arith.addi %mul3A_78, %add3A_116 : i32
        %get3A_118 = arith.index_cast %add3A_117 : i32 to index
        %get3A_119 = tpu.vector_load %arg6[%get3A_118] {strides = array<i32>} : memref<18432xi32, #tpu.memory_space<vmem>>, vector<16xi32>,
        %add3A_120 = arith.addi %get3A_119, %broadcast_in_dim3A : vector<16xi32>
        %gather3A_121 = tpu.vector_load_idx %arg5[%add3A_120] : memref<18432xf32, #tpu.memory_space<vmem>>[vector<16xi32>], vector<16xf32>,
        %swap3A_122 = arith.index_cast %add3A_117 : i32 to index
        %swap3A_123 = tpu.vector_load %arg7[%swap3A_122] {strides = array<i32>} : memref<18432xf32, #tpu.memory_space<vmem>>, vector<16xf32>,
        tpu.vector_store %arg7[%swap3A_122], %gather3A_121 {strides = array<i32>} : memref<18432xf32, #tpu.memory_space<vmem>>, vector<16xf32>,
        %add3A_124 = arith.constant 96 : i32
        %add3A_125 = arith.addi %mul3A_78, %add3A_124 : i32
        %get3A_126 = arith.index_cast %add3A_125 : i32 to index
        %get3A_127 = tpu.vector_load %arg6[%get3A_126] {strides = array<i32>} : memref<18432xi32, #tpu.memory_space<vmem>>, vector<16xi32>,
        %add3A_128 = arith.addi %get3A_127, %broadcast_in_dim3A : vector<16xi32>
        %gather3A_129 = tpu.vector_load_idx %arg5[%add3A_128] : memref<18432xf32, #tpu.memory_space<vmem>>[vector<16xi32>], vector<16xf32>,
        %swap3A_130 = arith.index_cast %add3A_125 : i32 to index
        %swap3A_131 = tpu.vector_load %arg7[%swap3A_130] {strides = array<i32>} : memref<18432xf32, #tpu.memory_space<vmem>>, vector<16xf32>,
        tpu.vector_store %arg7[%swap3A_130], %gather3A_129 {strides = array<i32>} : memref<18432xf32, #tpu.memory_space<vmem>>, vector<16xf32>,
        %add3A_132 = arith.constant 112 : i32
        %add3A_133 = arith.addi %mul3A_78, %add3A_132 : i32
        %get3A_134 = arith.index_cast %add3A_133 : i32 to index
        %get3A_135 = tpu.vector_load %arg6[%get3A_134] {strides = array<i32>} : memref<18432xi32, #tpu.memory_space<vmem>>, vector<16xi32>,
        %add3A_136 = arith.addi %get3A_135, %broadcast_in_dim3A : vector<16xi32>
        %gather3A_137 = tpu.vector_load_idx %arg5[%add3A_136] : memref<18432xf32, #tpu.memory_space<vmem>>[vector<16xi32>], vector<16xf32>,
        %swap3A_138 = arith.index_cast %add3A_133 : i32 to index
        %swap3A_139 = tpu.vector_load %arg7[%swap3A_138] {strides = array<i32>} : memref<18432xf32, #tpu.memory_space<vmem>>, vector<16xf32>,
        tpu.vector_store %arg7[%swap3A_138], %gather3A_137 {strides = array<i32>} : memref<18432xf32, #tpu.memory_space<vmem>>, vector<16xf32>,
        %add3A_140 = arith.constant 128 : i32
        %add3A_141 = arith.addi %mul3A_78, %add3A_140 : i32
        %get3A_142 = arith.index_cast %add3A_141 : i32 to index
        %get3A_143 = tpu.vector_load %arg6[%get3A_142] {strides = array<i32>} : memref<18432xi32, #tpu.memory_space<vmem>>, vector<16xi32>,
        %add3A_144 = arith.addi %get3A_143, %broadcast_in_dim3A : vector<16xi32>
        %gather3A_145 = tpu.vector_load_idx %arg5[%add3A_144] : memref<18432xf32, #tpu.memory_space<vmem>>[vector<16xi32>], vector<16xf32>,
        %swap3A_146 = arith.index_cast %add3A_141 : i32 to index
        %swap3A_147 = tpu.vector_load %arg7[%swap3A_146] {strides = array<i32>} : memref<18432xf32, #tpu.memory_space<vmem>>, vector<16xf32>,
        tpu.vector_store %arg7[%swap3A_146], %gather3A_145 {strides = array<i32>} : memref<18432xf32, #tpu.memory_space<vmem>>, vector<16xf32>,
        %add3A_148 = arith.constant 144 : i32
        %add3A_149 = arith.addi %mul3A_78, %add3A_148 : i32
        %get3A_150 = arith.index_cast %add3A_149 : i32 to index
        %get3A_151 = tpu.vector_load %arg6[%get3A_150] {strides = array<i32>} : memref<18432xi32, #tpu.memory_space<vmem>>, vector<16xi32>,
        %add3A_152 = arith.addi %get3A_151, %broadcast_in_dim3A : vector<16xi32>
        %gather3A_153 = tpu.vector_load_idx %arg5[%add3A_152] : memref<18432xf32, #tpu.memory_space<vmem>>[vector<16xi32>], vector<16xf32>,
        %swap3A_154 = arith.index_cast %add3A_149 : i32 to index
        %swap3A_155 = tpu.vector_load %arg7[%swap3A_154] {strides = array<i32>} : memref<18432xf32, #tpu.memory_space<vmem>>, vector<16xf32>,
        tpu.vector_store %arg7[%swap3A_154], %gather3A_153 {strides = array<i32>} : memref<18432xf32, #tpu.memory_space<vmem>>, vector<16xf32>,
        %add3A_156 = arith.constant 160 : i32
        %add3A_157 = arith.addi %mul3A_78, %add3A_156 : i32
        %get3A_158 = arith.index_cast %add3A_157 : i32 to index
        %get3A_159 = tpu.vector_load %arg6[%get3A_158] {strides = array<i32>} : memref<18432xi32, #tpu.memory_space<vmem>>, vector<16xi32>,
        %add3A_160 = arith.addi %get3A_159, %broadcast_in_dim3A : vector<16xi32>
        %gather3A_161 = tpu.vector_load_idx %arg5[%add3A_160] : memref<18432xf32, #tpu.memory_space<vmem>>[vector<16xi32>], vector<16xf32>,
        %swap3A_162 = arith.index_cast %add3A_157 : i32 to index
        %swap3A_163 = tpu.vector_load %arg7[%swap3A_162] {strides = array<i32>} : memref<18432xf32, #tpu.memory_space<vmem>>, vector<16xf32>,
        tpu.vector_store %arg7[%swap3A_162], %gather3A_161 {strides = array<i32>} : memref<18432xf32, #tpu.memory_space<vmem>>, vector<16xf32>,
        %add3A_164 = arith.constant 176 : i32
        %add3A_165 = arith.addi %mul3A_78, %add3A_164 : i32
        %get3A_166 = arith.index_cast %add3A_165 : i32 to index
        %get3A_167 = tpu.vector_load %arg6[%get3A_166] {strides = array<i32>} : memref<18432xi32, #tpu.memory_space<vmem>>, vector<16xi32>,
        %add3A_168 = arith.addi %get3A_167, %broadcast_in_dim3A : vector<16xi32>
        %gather3A_169 = tpu.vector_load_idx %arg5[%add3A_168] : memref<18432xf32, #tpu.memory_space<vmem>>[vector<16xi32>], vector<16xf32>,
        %swap3A_170 = arith.index_cast %add3A_165 : i32 to index
        %swap3A_171 = tpu.vector_load %arg7[%swap3A_170] {strides = array<i32>} : memref<18432xf32, #tpu.memory_space<vmem>>, vector<16xf32>,
        tpu.vector_store %arg7[%swap3A_170], %gather3A_169 {strides = array<i32>} : memref<18432xf32, #tpu.memory_space<vmem>>, vector<16xf32>,
        %add3A_172 = arith.constant 192 : i32
        %add3A_173 = arith.addi %mul3A_78, %add3A_172 : i32
        %get3A_174 = arith.index_cast %add3A_173 : i32 to index
        %get3A_175 = tpu.vector_load %arg6[%get3A_174] {strides = array<i32>} : memref<18432xi32, #tpu.memory_space<vmem>>, vector<16xi32>,
        %add3A_176 = arith.addi %get3A_175, %broadcast_in_dim3A : vector<16xi32>
        %gather3A_177 = tpu.vector_load_idx %arg5[%add3A_176] : memref<18432xf32, #tpu.memory_space<vmem>>[vector<16xi32>], vector<16xf32>,
        %swap3A_178 = arith.index_cast %add3A_173 : i32 to index
        %swap3A_179 = tpu.vector_load %arg7[%swap3A_178] {strides = array<i32>} : memref<18432xf32, #tpu.memory_space<vmem>>, vector<16xf32>,
        tpu.vector_store %arg7[%swap3A_178], %gather3A_177 {strides = array<i32>} : memref<18432xf32, #tpu.memory_space<vmem>>, vector<16xf32>,
        %add3A_180 = arith.constant 208 : i32
        %add3A_181 = arith.addi %mul3A_78, %add3A_180 : i32
        %get3A_182 = arith.index_cast %add3A_181 : i32 to index
        %get3A_183 = tpu.vector_load %arg6[%get3A_182] {strides = array<i32>} : memref<18432xi32, #tpu.memory_space<vmem>>, vector<16xi32>,
        %add3A_184 = arith.addi %get3A_183, %broadcast_in_dim3A : vector<16xi32>
        %gather3A_185 = tpu.vector_load_idx %arg5[%add3A_184] : memref<18432xf32, #tpu.memory_space<vmem>>[vector<16xi32>], vector<16xf32>,
        %swap3A_186 = arith.index_cast %add3A_181 : i32 to index
        %swap3A_187 = tpu.vector_load %arg7[%swap3A_186] {strides = array<i32>} : memref<18432xf32, #tpu.memory_space<vmem>>, vector<16xf32>,
        tpu.vector_store %arg7[%swap3A_186], %gather3A_185 {strides = array<i32>} : memref<18432xf32, #tpu.memory_space<vmem>>, vector<16xf32>,
        %add3A_188 = arith.constant 224 : i32
        %add3A_189 = arith.addi %mul3A_78, %add3A_188 : i32
        %get3A_190 = arith.index_cast %add3A_189 : i32 to index
        %get3A_191 = tpu.vector_load %arg6[%get3A_190] {strides = array<i32>} : memref<18432xi32, #tpu.memory_space<vmem>>, vector<16xi32>,
        %add3A_192 = arith.addi %get3A_191, %broadcast_in_dim3A : vector<16xi32>
        %gather3A_193 = tpu.vector_load_idx %arg5[%add3A_192] : memref<18432xf32, #tpu.memory_space<vmem>>[vector<16xi32>], vector<16xf32>,
        %swap3A_194 = arith.index_cast %add3A_189 : i32 to index
        %swap3A_195 = tpu.vector_load %arg7[%swap3A_194] {strides = array<i32>} : memref<18432xf32, #tpu.memory_space<vmem>>, vector<16xf32>,
        tpu.vector_store %arg7[%swap3A_194], %gather3A_193 {strides = array<i32>} : memref<18432xf32, #tpu.memory_space<vmem>>, vector<16xf32>,
        %add3A_196 = arith.constant 240 : i32
        %add3A_197 = arith.addi %mul3A_78, %add3A_196 : i32
        %get3A_198 = arith.index_cast %add3A_197 : i32 to index
        %get3A_199 = tpu.vector_load %arg6[%get3A_198] {strides = array<i32>} : memref<18432xi32, #tpu.memory_space<vmem>>, vector<16xi32>,
        %add3A_200 = arith.addi %get3A_199, %broadcast_in_dim3A : vector<16xi32>
        %gather3A_201 = tpu.vector_load_idx %arg5[%add3A_200] : memref<18432xf32, #tpu.memory_space<vmem>>[vector<16xi32>], vector<16xf32>,
        %swap3A_202 = arith.index_cast %add3A_197 : i32 to index
        %swap3A_203 = tpu.vector_load %arg7[%swap3A_202] {strides = array<i32>} : memref<18432xf32, #tpu.memory_space<vmem>>, vector<16xf32>,
        tpu.vector_store %arg7[%swap3A_202], %gather3A_201 {strides = array<i32>} : memref<18432xf32, #tpu.memory_space<vmem>>, vector<16xf32>,
        %add3A_204 = arith.constant 256 : i32
        %add3A_205 = arith.addi %mul3A_78, %add3A_204 : i32
        %get3A_206 = arith.index_cast %add3A_205 : i32 to index
        %get3A_207 = tpu.vector_load %arg6[%get3A_206] {strides = array<i32>} : memref<18432xi32, #tpu.memory_space<vmem>>, vector<16xi32>,
        %add3A_208 = arith.addi %get3A_207, %broadcast_in_dim3A : vector<16xi32>
        %gather3A_209 = tpu.vector_load_idx %arg5[%add3A_208] : memref<18432xf32, #tpu.memory_space<vmem>>[vector<16xi32>], vector<16xf32>,
        %swap3A_210 = arith.index_cast %add3A_205 : i32 to index
        %swap3A_211 = tpu.vector_load %arg7[%swap3A_210] {strides = array<i32>} : memref<18432xf32, #tpu.memory_space<vmem>>, vector<16xf32>,
        tpu.vector_store %arg7[%swap3A_210], %gather3A_209 {strides = array<i32>} : memref<18432xf32, #tpu.memory_space<vmem>>, vector<16xf32>,
        %add3A_212 = arith.constant 272 : i32
        %add3A_213 = arith.addi %mul3A_78, %add3A_212 : i32
        %get3A_214 = arith.index_cast %add3A_213 : i32 to index
        %get3A_215 = tpu.vector_load %arg6[%get3A_214] {strides = array<i32>} : memref<18432xi32, #tpu.memory_space<vmem>>, vector<16xi32>,
        %add3A_216 = arith.addi %get3A_215, %broadcast_in_dim3A : vector<16xi32>
        %gather3A_217 = tpu.vector_load_idx %arg5[%add3A_216] : memref<18432xf32, #tpu.memory_space<vmem>>[vector<16xi32>], vector<16xf32>,
        %swap3A_218 = arith.index_cast %add3A_213 : i32 to index
        %swap3A_219 = tpu.vector_load %arg7[%swap3A_218] {strides = array<i32>} : memref<18432xf32, #tpu.memory_space<vmem>>, vector<16xf32>,
        tpu.vector_store %arg7[%swap3A_218], %gather3A_217 {strides = array<i32>} : memref<18432xf32, #tpu.memory_space<vmem>>, vector<16xf32>,
        %add3A_220 = arith.constant 288 : i32
        %add3A_221 = arith.addi %mul3A_78, %add3A_220 : i32
        %get3A_222 = arith.index_cast %add3A_221 : i32 to index
        %get3A_223 = tpu.vector_load %arg6[%get3A_222] {strides = array<i32>} : memref<18432xi32, #tpu.memory_space<vmem>>, vector<16xi32>,
        %add3A_224 = arith.addi %get3A_223, %broadcast_in_dim3A : vector<16xi32>
        %gather3A_225 = tpu.vector_load_idx %arg5[%add3A_224] : memref<18432xf32, #tpu.memory_space<vmem>>[vector<16xi32>], vector<16xf32>,
        %swap3A_226 = arith.index_cast %add3A_221 : i32 to index
        %swap3A_227 = tpu.vector_load %arg7[%swap3A_226] {strides = array<i32>} : memref<18432xf32, #tpu.memory_space<vmem>>, vector<16xf32>,
        tpu.vector_store %arg7[%swap3A_226], %gather3A_225 {strides = array<i32>} : memref<18432xf32, #tpu.memory_space<vmem>>, vector<16xf32>,
        %add3A_228 = arith.constant 304 : i32
        %add3A_229 = arith.addi %mul3A_78, %add3A_228 : i32
        %get3A_230 = arith.index_cast %add3A_229 : i32 to index
        %get3A_231 = tpu.vector_load %arg6[%get3A_230] {strides = array<i32>} : memref<18432xi32, #tpu.memory_space<vmem>>, vector<16xi32>,
        %add3A_232 = arith.addi %get3A_231, %broadcast_in_dim3A : vector<16xi32>
        %gather3A_233 = tpu.vector_load_idx %arg5[%add3A_232] : memref<18432xf32, #tpu.memory_space<vmem>>[vector<16xi32>], vector<16xf32>,
        %swap3A_234 = arith.index_cast %add3A_229 : i32 to index
        %swap3A_235 = tpu.vector_load %arg7[%swap3A_234] {strides = array<i32>} : memref<18432xf32, #tpu.memory_space<vmem>>, vector<16xf32>,
        tpu.vector_store %arg7[%swap3A_234], %gather3A_233 {strides = array<i32>} : memref<18432xf32, #tpu.memory_space<vmem>>, vector<16xf32>,
        %add3A_236 = arith.constant 320 : i32
        %add3A_237 = arith.addi %mul3A_78, %add3A_236 : i32
        %get3A_238 = arith.index_cast %add3A_237 : i32 to index
        %get3A_239 = tpu.vector_load %arg6[%get3A_238] {strides = array<i32>} : memref<18432xi32, #tpu.memory_space<vmem>>, vector<16xi32>,
        %add3A_240 = arith.addi %get3A_239, %broadcast_in_dim3A : vector<16xi32>
        %gather3A_241 = tpu.vector_load_idx %arg5[%add3A_240] : memref<18432xf32, #tpu.memory_space<vmem>>[vector<16xi32>], vector<16xf32>,
        %swap3A_242 = arith.index_cast %add3A_237 : i32 to index
        %swap3A_243 = tpu.vector_load %arg7[%swap3A_242] {strides = array<i32>} : memref<18432xf32, #tpu.memory_space<vmem>>, vector<16xf32>,
        tpu.vector_store %arg7[%swap3A_242], %gather3A_241 {strides = array<i32>} : memref<18432xf32, #tpu.memory_space<vmem>>, vector<16xf32>,
        %add3A_244 = arith.constant 336 : i32
        %add3A_245 = arith.addi %mul3A_78, %add3A_244 : i32
        %get3A_246 = arith.index_cast %add3A_245 : i32 to index
        %get3A_247 = tpu.vector_load %arg6[%get3A_246] {strides = array<i32>} : memref<18432xi32, #tpu.memory_space<vmem>>, vector<16xi32>,
        %add3A_248 = arith.addi %get3A_247, %broadcast_in_dim3A : vector<16xi32>
        %gather3A_249 = tpu.vector_load_idx %arg5[%add3A_248] : memref<18432xf32, #tpu.memory_space<vmem>>[vector<16xi32>], vector<16xf32>,
        %swap3A_250 = arith.index_cast %add3A_245 : i32 to index
        %swap3A_251 = tpu.vector_load %arg7[%swap3A_250] {strides = array<i32>} : memref<18432xf32, #tpu.memory_space<vmem>>, vector<16xf32>,
        tpu.vector_store %arg7[%swap3A_250], %gather3A_249 {strides = array<i32>} : memref<18432xf32, #tpu.memory_space<vmem>>, vector<16xf32>,
        %add3A_252 = arith.constant 352 : i32
        %add3A_253 = arith.addi %mul3A_78, %add3A_252 : i32
        %get3A_254 = arith.index_cast %add3A_253 : i32 to index
        %get3A_255 = tpu.vector_load %arg6[%get3A_254] {strides = array<i32>} : memref<18432xi32, #tpu.memory_space<vmem>>, vector<16xi32>,
        %add3A_256 = arith.addi %get3A_255, %broadcast_in_dim3A : vector<16xi32>
        %gather3A_257 = tpu.vector_load_idx %arg5[%add3A_256] : memref<18432xf32, #tpu.memory_space<vmem>>[vector<16xi32>], vector<16xf32>,
        %swap3A_258 = arith.index_cast %add3A_253 : i32 to index
        %swap3A_259 = tpu.vector_load %arg7[%swap3A_258] {strides = array<i32>} : memref<18432xf32, #tpu.memory_space<vmem>>, vector<16xf32>,
        tpu.vector_store %arg7[%swap3A_258], %gather3A_257 {strides = array<i32>} : memref<18432xf32, #tpu.memory_space<vmem>>, vector<16xf32>,
        %add3A_260 = arith.constant 368 : i32
        %add3A_261 = arith.addi %mul3A_78, %add3A_260 : i32
        %get3A_262 = arith.index_cast %add3A_261 : i32 to index
        %get3A_263 = tpu.vector_load %arg6[%get3A_262] {strides = array<i32>} : memref<18432xi32, #tpu.memory_space<vmem>>, vector<16xi32>,
        %add3A_264 = arith.addi %get3A_263, %broadcast_in_dim3A : vector<16xi32>
        %gather3A_265 = tpu.vector_load_idx %arg5[%add3A_264] : memref<18432xf32, #tpu.memory_space<vmem>>[vector<16xi32>], vector<16xf32>,
        %swap3A_266 = arith.index_cast %add3A_261 : i32 to index
        %swap3A_267 = tpu.vector_load %arg7[%swap3A_266] {strides = array<i32>} : memref<18432xf32, #tpu.memory_space<vmem>>, vector<16xf32>,
        tpu.vector_store %arg7[%swap3A_266], %gather3A_265 {strides = array<i32>} : memref<18432xf32, #tpu.memory_space<vmem>>, vector<16xf32>,
      }
      %scan3A_41 = arith.constant 48 : i32
      %mul3A_42 = arith.constant 18432 : i32
      %mul3A_43 = arith.muli %add3A_23, %mul3A_42 : i32
      %add3A_44 = arith.addi %mul3A_4, %mul3A_43 : i32
      %dma_start3A_45 = tpu.memref_slice %arg4[%add3A_44] : memref<56623104xf32, #tpu.memory_space<hbm>> -> memref<18432xf32, #tpu.memory_space<hbm>>
      %dma_start3A_46 = tpu.memref_slice %arg4[%add3A_44] : memref<56623104xf32, #tpu.memory_space<hbm>> -> memref<18432xf32, #tpu.memory_space<hbm>>
      tpu.enqueue_dma source(%arg7 : memref<18432xf32, #tpu.memory_space<vmem>>) target(%dma_start3A_46 : memref<18432xf32, #tpu.memory_space<hbm>>) target_semaphore(%arg13 : memref<!tpu.dma_semaphore, #tpu.memory_space<semaphore_mem>>)
      %add3A_47 = arith.constant 1 : i32
      %add3A_48 = arith.addi %add3A_21, %add3A_47 : i32
      %add3A_49 = arith.constant 1 : i32
      %add3A_50 = arith.addi %add3A_48, %add3A_49 : i32
      %lt3A_51 = arith.constant 96 : i32
      %lt3A_52 = arith.cmpi slt, %add3A_50, %lt3A_51 : i32
      %convert_element_type3A_53 = arith.extui %lt3A_52 : i1 to i32
      %cond3A_54 = arith.constant 0 : i32
      %cond3A_55 = arith.cmpi ne, %convert_element_type3A_53, %cond3A_54 : i32
      scf.if %cond3A_55 {
        %add3A_76 = arith.constant 1 : i32
        %add3A_77 = arith.addi %add3A_48, %add3A_76 : i32
        %mul3A_78 = arith.constant 18432 : i32
        %mul3A_79 = arith.muli %add3A_77, %mul3A_78 : i32
        %add3A_80 = arith.addi %mul3A_4, %mul3A_79 : i32
        %dma_start3A_81 = tpu.memref_slice %arg2[%add3A_80] : memref<56623104xf32, #tpu.memory_space<hbm>> -> memref<18432xf32, #tpu.memory_space<hbm>>
        %dma_start3A_82 = tpu.memref_slice %arg2[%add3A_80] : memref<56623104xf32, #tpu.memory_space<hbm>> -> memref<18432xf32, #tpu.memory_space<hbm>>
        tpu.enqueue_dma source(%dma_start3A_82 : memref<18432xf32, #tpu.memory_space<hbm>>) target(%arg5 : memref<18432xf32, #tpu.memory_space<vmem>>) target_semaphore(%arg11 : memref<!tpu.dma_semaphore, #tpu.memory_space<semaphore_mem>>)
        %dma_start3A_83 = tpu.memref_slice %arg3[%add3A_80] : memref<56623104xi32, #tpu.memory_space<hbm>> -> memref<18432xi32, #tpu.memory_space<hbm>>
        %dma_start3A_84 = tpu.memref_slice %arg3[%add3A_80] : memref<56623104xi32, #tpu.memory_space<hbm>> -> memref<18432xi32, #tpu.memory_space<hbm>>
        tpu.enqueue_dma source(%dma_start3A_84 : memref<18432xi32, #tpu.memory_space<hbm>>) target(%arg6 : memref<18432xi32, #tpu.memory_space<vmem>>) target_semaphore(%arg11 : memref<!tpu.dma_semaphore, #tpu.memory_space<semaphore_mem>>)
      } else {
      }
      %ge3A_56 = arith.constant 2 : i32
      %ge3A_57 = arith.cmpi sge, %add3A_48, %ge3A_56 : i32
      %convert_element_type3A_58 = arith.extui %ge3A_57 : i1 to i32
      %cond3A_59 = arith.constant 0 : i32
      %cond3A_60 = arith.cmpi ne, %convert_element_type3A_58, %cond3A_59 : i32
      scf.if %cond3A_60 {
        %dma_wait3A_76 = tpu.memref_slice %arg4[%mul3A_4] : memref<56623104xf32, #tpu.memory_space<hbm>> -> memref<18432xf32, #tpu.memory_space<hbm>>
        %dma_wait3A_77 = tpu.memref_slice %arg4[%mul3A_4] : memref<56623104xf32, #tpu.memory_space<hbm>> -> memref<18432xf32, #tpu.memory_space<hbm>>
        tpu.wait_dma2 semaphore(%arg14 : memref<!tpu.dma_semaphore, #tpu.memory_space<semaphore_mem>>) src(%arg10 : memref<18432xf32, #tpu.memory_space<vmem>>) dst(%dma_wait3A_77 : memref<18432xf32, #tpu.memory_space<hbm>>)
      } else {
      }
      %dma_wait3A_61 = tpu.memref_slice %arg2[%mul3A_4] : memref<56623104xf32, #tpu.memory_space<hbm>> -> memref<18432xf32, #tpu.memory_space<hbm>>
      %dma_wait3A_62 = tpu.memref_slice %arg2[%mul3A_4] : memref<56623104xf32, #tpu.memory_space<hbm>> -> memref<18432xf32, #tpu.memory_space<hbm>>
      tpu.wait_dma2 semaphore(%arg12 : memref<!tpu.dma_semaphore, #tpu.memory_space<semaphore_mem>>) src(%dma_wait3A_62 : memref<18432xf32, #tpu.memory_space<hbm>>) dst(%arg8 : memref<18432xf32, #tpu.memory_space<vmem>>)
      %dma_wait3A_63 = tpu.memref_slice %arg3[%mul3A_4] : memref<56623104xi32, #tpu.memory_space<hbm>> -> memref<18432xi32, #tpu.memory_space<hbm>>
      %dma_wait3A_64 = tpu.memref_slice %arg3[%mul3A_4] : memref<56623104xi32, #tpu.memory_space<hbm>> -> memref<18432xi32, #tpu.memory_space<hbm>>
      tpu.wait_dma2 semaphore(%arg12 : memref<!tpu.dma_semaphore, #tpu.memory_space<semaphore_mem>>) src(%dma_wait3A_64 : memref<18432xi32, #tpu.memory_space<hbm>>) dst(%arg9 : memref<18432xi32, #tpu.memory_space<vmem>>)
      %scan3A_65 = arith.constant 0 : i32
      %scan3A_66 = arith.constant 0 : i32
      %scan3A_67 = arith.constant 48 : i32
      %scan3A_68 = arith.addi %scan3A_66, %scan3A_67 : i32
      %scan3A_69 = arith.constant 1 : i32
      scf.for %scan3A_76 = %scan3A_66 to %scan3A_68 step %scan3A_69  : i32 {
        %mul3A_77 = arith.constant 384 : i32
        %mul3A_78 = arith.muli %scan3A_76, %mul3A_77 : i32
        %broadcast_in_dim3A = vector.broadcast %mul3A_78 : i32 to vector<16xi32>
        %add3A_79 = arith.constant 0 : i32
        %add3A_80 = arith.addi %mul3A_78, %add3A_79 : i32
        %get3A = arith.index_cast %add3A_80 : i32 to index
        %get3A_81 = tpu.vector_load %arg9[%get3A] {strides = array<i32>} : memref<18432xi32, #tpu.memory_space<vmem>>, vector<16xi32>,
        %add3A_82 = arith.addi %get3A_81, %broadcast_in_dim3A : vector<16xi32>
        %gather3A = tpu.vector_load_idx %arg8[%add3A_82] : memref<18432xf32, #tpu.memory_space<vmem>>[vector<16xi32>], vector<16xf32>,
        %swap3A = arith.index_cast %add3A_80 : i32 to index
        %swap3A_83 = tpu.vector_load %arg10[%swap3A] {strides = array<i32>} : memref<18432xf32, #tpu.memory_space<vmem>>, vector<16xf32>,
        tpu.vector_store %arg10[%swap3A], %gather3A {strides = array<i32>} : memref<18432xf32, #tpu.memory_space<vmem>>, vector<16xf32>,
        %add3A_84 = arith.constant 16 : i32
        %add3A_85 = arith.addi %mul3A_78, %add3A_84 : i32
        %get3A_86 = arith.index_cast %add3A_85 : i32 to index
        %get3A_87 = tpu.vector_load %arg9[%get3A_86] {strides = array<i32>} : memref<18432xi32, #tpu.memory_space<vmem>>, vector<16xi32>,
        %add3A_88 = arith.addi %get3A_87, %broadcast_in_dim3A : vector<16xi32>
        %gather3A_89 = tpu.vector_load_idx %arg8[%add3A_88] : memref<18432xf32, #tpu.memory_space<vmem>>[vector<16xi32>], vector<16xf32>,
        %swap3A_90 = arith.index_cast %add3A_85 : i32 to index
        %swap3A_91 = tpu.vector_load %arg10[%swap3A_90] {strides = array<i32>} : memref<18432xf32, #tpu.memory_space<vmem>>, vector<16xf32>,
        tpu.vector_store %arg10[%swap3A_90], %gather3A_89 {strides = array<i32>} : memref<18432xf32, #tpu.memory_space<vmem>>, vector<16xf32>,
        %add3A_92 = arith.constant 32 : i32
        %add3A_93 = arith.addi %mul3A_78, %add3A_92 : i32
        %get3A_94 = arith.index_cast %add3A_93 : i32 to index
        %get3A_95 = tpu.vector_load %arg9[%get3A_94] {strides = array<i32>} : memref<18432xi32, #tpu.memory_space<vmem>>, vector<16xi32>,
        %add3A_96 = arith.addi %get3A_95, %broadcast_in_dim3A : vector<16xi32>
        %gather3A_97 = tpu.vector_load_idx %arg8[%add3A_96] : memref<18432xf32, #tpu.memory_space<vmem>>[vector<16xi32>], vector<16xf32>,
        %swap3A_98 = arith.index_cast %add3A_93 : i32 to index
        %swap3A_99 = tpu.vector_load %arg10[%swap3A_98] {strides = array<i32>} : memref<18432xf32, #tpu.memory_space<vmem>>, vector<16xf32>,
        tpu.vector_store %arg10[%swap3A_98], %gather3A_97 {strides = array<i32>} : memref<18432xf32, #tpu.memory_space<vmem>>, vector<16xf32>,
        %add3A_100 = arith.constant 48 : i32
        %add3A_101 = arith.addi %mul3A_78, %add3A_100 : i32
        %get3A_102 = arith.index_cast %add3A_101 : i32 to index
        %get3A_103 = tpu.vector_load %arg9[%get3A_102] {strides = array<i32>} : memref<18432xi32, #tpu.memory_space<vmem>>, vector<16xi32>,
        %add3A_104 = arith.addi %get3A_103, %broadcast_in_dim3A : vector<16xi32>
        %gather3A_105 = tpu.vector_load_idx %arg8[%add3A_104] : memref<18432xf32, #tpu.memory_space<vmem>>[vector<16xi32>], vector<16xf32>,
        %swap3A_106 = arith.index_cast %add3A_101 : i32 to index
        %swap3A_107 = tpu.vector_load %arg10[%swap3A_106] {strides = array<i32>} : memref<18432xf32, #tpu.memory_space<vmem>>, vector<16xf32>,
        tpu.vector_store %arg10[%swap3A_106], %gather3A_105 {strides = array<i32>} : memref<18432xf32, #tpu.memory_space<vmem>>, vector<16xf32>,
        %add3A_108 = arith.constant 64 : i32
        %add3A_109 = arith.addi %mul3A_78, %add3A_108 : i32
        %get3A_110 = arith.index_cast %add3A_109 : i32 to index
        %get3A_111 = tpu.vector_load %arg9[%get3A_110] {strides = array<i32>} : memref<18432xi32, #tpu.memory_space<vmem>>, vector<16xi32>,
        %add3A_112 = arith.addi %get3A_111, %broadcast_in_dim3A : vector<16xi32>
        %gather3A_113 = tpu.vector_load_idx %arg8[%add3A_112] : memref<18432xf32, #tpu.memory_space<vmem>>[vector<16xi32>], vector<16xf32>,
        %swap3A_114 = arith.index_cast %add3A_109 : i32 to index
        %swap3A_115 = tpu.vector_load %arg10[%swap3A_114] {strides = array<i32>} : memref<18432xf32, #tpu.memory_space<vmem>>, vector<16xf32>,
        tpu.vector_store %arg10[%swap3A_114], %gather3A_113 {strides = array<i32>} : memref<18432xf32, #tpu.memory_space<vmem>>, vector<16xf32>,
        %add3A_116 = arith.constant 80 : i32
        %add3A_117 = arith.addi %mul3A_78, %add3A_116 : i32
        %get3A_118 = arith.index_cast %add3A_117 : i32 to index
        %get3A_119 = tpu.vector_load %arg9[%get3A_118] {strides = array<i32>} : memref<18432xi32, #tpu.memory_space<vmem>>, vector<16xi32>,
        %add3A_120 = arith.addi %get3A_119, %broadcast_in_dim3A : vector<16xi32>
        %gather3A_121 = tpu.vector_load_idx %arg8[%add3A_120] : memref<18432xf32, #tpu.memory_space<vmem>>[vector<16xi32>], vector<16xf32>,
        %swap3A_122 = arith.index_cast %add3A_117 : i32 to index
        %swap3A_123 = tpu.vector_load %arg10[%swap3A_122] {strides = array<i32>} : memref<18432xf32, #tpu.memory_space<vmem>>, vector<16xf32>,
        tpu.vector_store %arg10[%swap3A_122], %gather3A_121 {strides = array<i32>} : memref<18432xf32, #tpu.memory_space<vmem>>, vector<16xf32>,
        %add3A_124 = arith.constant 96 : i32
        %add3A_125 = arith.addi %mul3A_78, %add3A_124 : i32
        %get3A_126 = arith.index_cast %add3A_125 : i32 to index
        %get3A_127 = tpu.vector_load %arg9[%get3A_126] {strides = array<i32>} : memref<18432xi32, #tpu.memory_space<vmem>>, vector<16xi32>,
        %add3A_128 = arith.addi %get3A_127, %broadcast_in_dim3A : vector<16xi32>
        %gather3A_129 = tpu.vector_load_idx %arg8[%add3A_128] : memref<18432xf32, #tpu.memory_space<vmem>>[vector<16xi32>], vector<16xf32>,
        %swap3A_130 = arith.index_cast %add3A_125 : i32 to index
        %swap3A_131 = tpu.vector_load %arg10[%swap3A_130] {strides = array<i32>} : memref<18432xf32, #tpu.memory_space<vmem>>, vector<16xf32>,
        tpu.vector_store %arg10[%swap3A_130], %gather3A_129 {strides = array<i32>} : memref<18432xf32, #tpu.memory_space<vmem>>, vector<16xf32>,
        %add3A_132 = arith.constant 112 : i32
        %add3A_133 = arith.addi %mul3A_78, %add3A_132 : i32
        %get3A_134 = arith.index_cast %add3A_133 : i32 to index
        %get3A_135 = tpu.vector_load %arg9[%get3A_134] {strides = array<i32>} : memref<18432xi32, #tpu.memory_space<vmem>>, vector<16xi32>,
        %add3A_136 = arith.addi %get3A_135, %broadcast_in_dim3A : vector<16xi32>
        %gather3A_137 = tpu.vector_load_idx %arg8[%add3A_136] : memref<18432xf32, #tpu.memory_space<vmem>>[vector<16xi32>], vector<16xf32>,
        %swap3A_138 = arith.index_cast %add3A_133 : i32 to index
        %swap3A_139 = tpu.vector_load %arg10[%swap3A_138] {strides = array<i32>} : memref<18432xf32, #tpu.memory_space<vmem>>, vector<16xf32>,
        tpu.vector_store %arg10[%swap3A_138], %gather3A_137 {strides = array<i32>} : memref<18432xf32, #tpu.memory_space<vmem>>, vector<16xf32>,
        %add3A_140 = arith.constant 128 : i32
        %add3A_141 = arith.addi %mul3A_78, %add3A_140 : i32
        %get3A_142 = arith.index_cast %add3A_141 : i32 to index
        %get3A_143 = tpu.vector_load %arg9[%get3A_142] {strides = array<i32>} : memref<18432xi32, #tpu.memory_space<vmem>>, vector<16xi32>,
        %add3A_144 = arith.addi %get3A_143, %broadcast_in_dim3A : vector<16xi32>
        %gather3A_145 = tpu.vector_load_idx %arg8[%add3A_144] : memref<18432xf32, #tpu.memory_space<vmem>>[vector<16xi32>], vector<16xf32>,
        %swap3A_146 = arith.index_cast %add3A_141 : i32 to index
        %swap3A_147 = tpu.vector_load %arg10[%swap3A_146] {strides = array<i32>} : memref<18432xf32, #tpu.memory_space<vmem>>, vector<16xf32>,
        tpu.vector_store %arg10[%swap3A_146], %gather3A_145 {strides = array<i32>} : memref<18432xf32, #tpu.memory_space<vmem>>, vector<16xf32>,
        %add3A_148 = arith.constant 144 : i32
        %add3A_149 = arith.addi %mul3A_78, %add3A_148 : i32
        %get3A_150 = arith.index_cast %add3A_149 : i32 to index
        %get3A_151 = tpu.vector_load %arg9[%get3A_150] {strides = array<i32>} : memref<18432xi32, #tpu.memory_space<vmem>>, vector<16xi32>,
        %add3A_152 = arith.addi %get3A_151, %broadcast_in_dim3A : vector<16xi32>
        %gather3A_153 = tpu.vector_load_idx %arg8[%add3A_152] : memref<18432xf32, #tpu.memory_space<vmem>>[vector<16xi32>], vector<16xf32>,
        %swap3A_154 = arith.index_cast %add3A_149 : i32 to index
        %swap3A_155 = tpu.vector_load %arg10[%swap3A_154] {strides = array<i32>} : memref<18432xf32, #tpu.memory_space<vmem>>, vector<16xf32>,
        tpu.vector_store %arg10[%swap3A_154], %gather3A_153 {strides = array<i32>} : memref<18432xf32, #tpu.memory_space<vmem>>, vector<16xf32>,
        %add3A_156 = arith.constant 160 : i32
        %add3A_157 = arith.addi %mul3A_78, %add3A_156 : i32
        %get3A_158 = arith.index_cast %add3A_157 : i32 to index
        %get3A_159 = tpu.vector_load %arg9[%get3A_158] {strides = array<i32>} : memref<18432xi32, #tpu.memory_space<vmem>>, vector<16xi32>,
        %add3A_160 = arith.addi %get3A_159, %broadcast_in_dim3A : vector<16xi32>
        %gather3A_161 = tpu.vector_load_idx %arg8[%add3A_160] : memref<18432xf32, #tpu.memory_space<vmem>>[vector<16xi32>], vector<16xf32>,
        %swap3A_162 = arith.index_cast %add3A_157 : i32 to index
        %swap3A_163 = tpu.vector_load %arg10[%swap3A_162] {strides = array<i32>} : memref<18432xf32, #tpu.memory_space<vmem>>, vector<16xf32>,
        tpu.vector_store %arg10[%swap3A_162], %gather3A_161 {strides = array<i32>} : memref<18432xf32, #tpu.memory_space<vmem>>, vector<16xf32>,
        %add3A_164 = arith.constant 176 : i32
        %add3A_165 = arith.addi %mul3A_78, %add3A_164 : i32
        %get3A_166 = arith.index_cast %add3A_165 : i32 to index
        %get3A_167 = tpu.vector_load %arg9[%get3A_166] {strides = array<i32>} : memref<18432xi32, #tpu.memory_space<vmem>>, vector<16xi32>,
        %add3A_168 = arith.addi %get3A_167, %broadcast_in_dim3A : vector<16xi32>
        %gather3A_169 = tpu.vector_load_idx %arg8[%add3A_168] : memref<18432xf32, #tpu.memory_space<vmem>>[vector<16xi32>], vector<16xf32>,
        %swap3A_170 = arith.index_cast %add3A_165 : i32 to index
        %swap3A_171 = tpu.vector_load %arg10[%swap3A_170] {strides = array<i32>} : memref<18432xf32, #tpu.memory_space<vmem>>, vector<16xf32>,
        tpu.vector_store %arg10[%swap3A_170], %gather3A_169 {strides = array<i32>} : memref<18432xf32, #tpu.memory_space<vmem>>, vector<16xf32>,
        %add3A_172 = arith.constant 192 : i32
        %add3A_173 = arith.addi %mul3A_78, %add3A_172 : i32
        %get3A_174 = arith.index_cast %add3A_173 : i32 to index
        %get3A_175 = tpu.vector_load %arg9[%get3A_174] {strides = array<i32>} : memref<18432xi32, #tpu.memory_space<vmem>>, vector<16xi32>,
        %add3A_176 = arith.addi %get3A_175, %broadcast_in_dim3A : vector<16xi32>
        %gather3A_177 = tpu.vector_load_idx %arg8[%add3A_176] : memref<18432xf32, #tpu.memory_space<vmem>>[vector<16xi32>], vector<16xf32>,
        %swap3A_178 = arith.index_cast %add3A_173 : i32 to index
        %swap3A_179 = tpu.vector_load %arg10[%swap3A_178] {strides = array<i32>} : memref<18432xf32, #tpu.memory_space<vmem>>, vector<16xf32>,
        tpu.vector_store %arg10[%swap3A_178], %gather3A_177 {strides = array<i32>} : memref<18432xf32, #tpu.memory_space<vmem>>, vector<16xf32>,
        %add3A_180 = arith.constant 208 : i32
        %add3A_181 = arith.addi %mul3A_78, %add3A_180 : i32
        %get3A_182 = arith.index_cast %add3A_181 : i32 to index
        %get3A_183 = tpu.vector_load %arg9[%get3A_182] {strides = array<i32>} : memref<18432xi32, #tpu.memory_space<vmem>>, vector<16xi32>,
        %add3A_184 = arith.addi %get3A_183, %broadcast_in_dim3A : vector<16xi32>
        %gather3A_185 = tpu.vector_load_idx %arg8[%add3A_184] : memref<18432xf32, #tpu.memory_space<vmem>>[vector<16xi32>], vector<16xf32>,
        %swap3A_186 = arith.index_cast %add3A_181 : i32 to index
        %swap3A_187 = tpu.vector_load %arg10[%swap3A_186] {strides = array<i32>} : memref<18432xf32, #tpu.memory_space<vmem>>, vector<16xf32>,
        tpu.vector_store %arg10[%swap3A_186], %gather3A_185 {strides = array<i32>} : memref<18432xf32, #tpu.memory_space<vmem>>, vector<16xf32>,
        %add3A_188 = arith.constant 224 : i32
        %add3A_189 = arith.addi %mul3A_78, %add3A_188 : i32
        %get3A_190 = arith.index_cast %add3A_189 : i32 to index
        %get3A_191 = tpu.vector_load %arg9[%get3A_190] {strides = array<i32>} : memref<18432xi32, #tpu.memory_space<vmem>>, vector<16xi32>,
        %add3A_192 = arith.addi %get3A_191, %broadcast_in_dim3A : vector<16xi32>
        %gather3A_193 = tpu.vector_load_idx %arg8[%add3A_192] : memref<18432xf32, #tpu.memory_space<vmem>>[vector<16xi32>], vector<16xf32>,
        %swap3A_194 = arith.index_cast %add3A_189 : i32 to index
        %swap3A_195 = tpu.vector_load %arg10[%swap3A_194] {strides = array<i32>} : memref<18432xf32, #tpu.memory_space<vmem>>, vector<16xf32>,
        tpu.vector_store %arg10[%swap3A_194], %gather3A_193 {strides = array<i32>} : memref<18432xf32, #tpu.memory_space<vmem>>, vector<16xf32>,
        %add3A_196 = arith.constant 240 : i32
        %add3A_197 = arith.addi %mul3A_78, %add3A_196 : i32
        %get3A_198 = arith.index_cast %add3A_197 : i32 to index
        %get3A_199 = tpu.vector_load %arg9[%get3A_198] {strides = array<i32>} : memref<18432xi32, #tpu.memory_space<vmem>>, vector<16xi32>,
        %add3A_200 = arith.addi %get3A_199, %broadcast_in_dim3A : vector<16xi32>
        %gather3A_201 = tpu.vector_load_idx %arg8[%add3A_200] : memref<18432xf32, #tpu.memory_space<vmem>>[vector<16xi32>], vector<16xf32>,
        %swap3A_202 = arith.index_cast %add3A_197 : i32 to index
        %swap3A_203 = tpu.vector_load %arg10[%swap3A_202] {strides = array<i32>} : memref<18432xf32, #tpu.memory_space<vmem>>, vector<16xf32>,
        tpu.vector_store %arg10[%swap3A_202], %gather3A_201 {strides = array<i32>} : memref<18432xf32, #tpu.memory_space<vmem>>, vector<16xf32>,
        %add3A_204 = arith.constant 256 : i32
        %add3A_205 = arith.addi %mul3A_78, %add3A_204 : i32
        %get3A_206 = arith.index_cast %add3A_205 : i32 to index
        %get3A_207 = tpu.vector_load %arg9[%get3A_206] {strides = array<i32>} : memref<18432xi32, #tpu.memory_space<vmem>>, vector<16xi32>,
        %add3A_208 = arith.addi %get3A_207, %broadcast_in_dim3A : vector<16xi32>
        %gather3A_209 = tpu.vector_load_idx %arg8[%add3A_208] : memref<18432xf32, #tpu.memory_space<vmem>>[vector<16xi32>], vector<16xf32>,
        %swap3A_210 = arith.index_cast %add3A_205 : i32 to index
        %swap3A_211 = tpu.vector_load %arg10[%swap3A_210] {strides = array<i32>} : memref<18432xf32, #tpu.memory_space<vmem>>, vector<16xf32>,
        tpu.vector_store %arg10[%swap3A_210], %gather3A_209 {strides = array<i32>} : memref<18432xf32, #tpu.memory_space<vmem>>, vector<16xf32>,
        %add3A_212 = arith.constant 272 : i32
        %add3A_213 = arith.addi %mul3A_78, %add3A_212 : i32
        %get3A_214 = arith.index_cast %add3A_213 : i32 to index
        %get3A_215 = tpu.vector_load %arg9[%get3A_214] {strides = array<i32>} : memref<18432xi32, #tpu.memory_space<vmem>>, vector<16xi32>,
        %add3A_216 = arith.addi %get3A_215, %broadcast_in_dim3A : vector<16xi32>
        %gather3A_217 = tpu.vector_load_idx %arg8[%add3A_216] : memref<18432xf32, #tpu.memory_space<vmem>>[vector<16xi32>], vector<16xf32>,
        %swap3A_218 = arith.index_cast %add3A_213 : i32 to index
        %swap3A_219 = tpu.vector_load %arg10[%swap3A_218] {strides = array<i32>} : memref<18432xf32, #tpu.memory_space<vmem>>, vector<16xf32>,
        tpu.vector_store %arg10[%swap3A_218], %gather3A_217 {strides = array<i32>} : memref<18432xf32, #tpu.memory_space<vmem>>, vector<16xf32>,
        %add3A_220 = arith.constant 288 : i32
        %add3A_221 = arith.addi %mul3A_78, %add3A_220 : i32
        %get3A_222 = arith.index_cast %add3A_221 : i32 to index
        %get3A_223 = tpu.vector_load %arg9[%get3A_222] {strides = array<i32>} : memref<18432xi32, #tpu.memory_space<vmem>>, vector<16xi32>,
        %add3A_224 = arith.addi %get3A_223, %broadcast_in_dim3A : vector<16xi32>
        %gather3A_225 = tpu.vector_load_idx %arg8[%add3A_224] : memref<18432xf32, #tpu.memory_space<vmem>>[vector<16xi32>], vector<16xf32>,
        %swap3A_226 = arith.index_cast %add3A_221 : i32 to index
        %swap3A_227 = tpu.vector_load %arg10[%swap3A_226] {strides = array<i32>} : memref<18432xf32, #tpu.memory_space<vmem>>, vector<16xf32>,
        tpu.vector_store %arg10[%swap3A_226], %gather3A_225 {strides = array<i32>} : memref<18432xf32, #tpu.memory_space<vmem>>, vector<16xf32>,
        %add3A_228 = arith.constant 304 : i32
        %add3A_229 = arith.addi %mul3A_78, %add3A_228 : i32
        %get3A_230 = arith.index_cast %add3A_229 : i32 to index
        %get3A_231 = tpu.vector_load %arg9[%get3A_230] {strides = array<i32>} : memref<18432xi32, #tpu.memory_space<vmem>>, vector<16xi32>,
        %add3A_232 = arith.addi %get3A_231, %broadcast_in_dim3A : vector<16xi32>
        %gather3A_233 = tpu.vector_load_idx %arg8[%add3A_232] : memref<18432xf32, #tpu.memory_space<vmem>>[vector<16xi32>], vector<16xf32>,
        %swap3A_234 = arith.index_cast %add3A_229 : i32 to index
        %swap3A_235 = tpu.vector_load %arg10[%swap3A_234] {strides = array<i32>} : memref<18432xf32, #tpu.memory_space<vmem>>, vector<16xf32>,
        tpu.vector_store %arg10[%swap3A_234], %gather3A_233 {strides = array<i32>} : memref<18432xf32, #tpu.memory_space<vmem>>, vector<16xf32>,
        %add3A_236 = arith.constant 320 : i32
        %add3A_237 = arith.addi %mul3A_78, %add3A_236 : i32
        %get3A_238 = arith.index_cast %add3A_237 : i32 to index
        %get3A_239 = tpu.vector_load %arg9[%get3A_238] {strides = array<i32>} : memref<18432xi32, #tpu.memory_space<vmem>>, vector<16xi32>,
        %add3A_240 = arith.addi %get3A_239, %broadcast_in_dim3A : vector<16xi32>
        %gather3A_241 = tpu.vector_load_idx %arg8[%add3A_240] : memref<18432xf32, #tpu.memory_space<vmem>>[vector<16xi32>], vector<16xf32>,
        %swap3A_242 = arith.index_cast %add3A_237 : i32 to index
        %swap3A_243 = tpu.vector_load %arg10[%swap3A_242] {strides = array<i32>} : memref<18432xf32, #tpu.memory_space<vmem>>, vector<16xf32>,
        tpu.vector_store %arg10[%swap3A_242], %gather3A_241 {strides = array<i32>} : memref<18432xf32, #tpu.memory_space<vmem>>, vector<16xf32>,
        %add3A_244 = arith.constant 336 : i32
        %add3A_245 = arith.addi %mul3A_78, %add3A_244 : i32
        %get3A_246 = arith.index_cast %add3A_245 : i32 to index
        %get3A_247 = tpu.vector_load %arg9[%get3A_246] {strides = array<i32>} : memref<18432xi32, #tpu.memory_space<vmem>>, vector<16xi32>,
        %add3A_248 = arith.addi %get3A_247, %broadcast_in_dim3A : vector<16xi32>
        %gather3A_249 = tpu.vector_load_idx %arg8[%add3A_248] : memref<18432xf32, #tpu.memory_space<vmem>>[vector<16xi32>], vector<16xf32>,
        %swap3A_250 = arith.index_cast %add3A_245 : i32 to index
        %swap3A_251 = tpu.vector_load %arg10[%swap3A_250] {strides = array<i32>} : memref<18432xf32, #tpu.memory_space<vmem>>, vector<16xf32>,
        tpu.vector_store %arg10[%swap3A_250], %gather3A_249 {strides = array<i32>} : memref<18432xf32, #tpu.memory_space<vmem>>, vector<16xf32>,
        %add3A_252 = arith.constant 352 : i32
        %add3A_253 = arith.addi %mul3A_78, %add3A_252 : i32
        %get3A_254 = arith.index_cast %add3A_253 : i32 to index
        %get3A_255 = tpu.vector_load %arg9[%get3A_254] {strides = array<i32>} : memref<18432xi32, #tpu.memory_space<vmem>>, vector<16xi32>,
        %add3A_256 = arith.addi %get3A_255, %broadcast_in_dim3A : vector<16xi32>
        %gather3A_257 = tpu.vector_load_idx %arg8[%add3A_256] : memref<18432xf32, #tpu.memory_space<vmem>>[vector<16xi32>], vector<16xf32>,
        %swap3A_258 = arith.index_cast %add3A_253 : i32 to index
        %swap3A_259 = tpu.vector_load %arg10[%swap3A_258] {strides = array<i32>} : memref<18432xf32, #tpu.memory_space<vmem>>, vector<16xf32>,
        tpu.vector_store %arg10[%swap3A_258], %gather3A_257 {strides = array<i32>} : memref<18432xf32, #tpu.memory_space<vmem>>, vector<16xf32>,
        %add3A_260 = arith.constant 368 : i32
        %add3A_261 = arith.addi %mul3A_78, %add3A_260 : i32
        %get3A_262 = arith.index_cast %add3A_261 : i32 to index
        %get3A_263 = tpu.vector_load %arg9[%get3A_262] {strides = array<i32>} : memref<18432xi32, #tpu.memory_space<vmem>>, vector<16xi32>,
        %add3A_264 = arith.addi %get3A_263, %broadcast_in_dim3A : vector<16xi32>
        %gather3A_265 = tpu.vector_load_idx %arg8[%add3A_264] : memref<18432xf32, #tpu.memory_space<vmem>>[vector<16xi32>], vector<16xf32>,
        %swap3A_266 = arith.index_cast %add3A_261 : i32 to index
        %swap3A_267 = tpu.vector_load %arg10[%swap3A_266] {strides = array<i32>} : memref<18432xf32, #tpu.memory_space<vmem>>, vector<16xf32>,
        tpu.vector_store %arg10[%swap3A_266], %gather3A_265 {strides = array<i32>} : memref<18432xf32, #tpu.memory_space<vmem>>, vector<16xf32>,
      }
      %scan3A_70 = arith.constant 48 : i32
      %mul3A_71 = arith.constant 18432 : i32
      %mul3A_72 = arith.muli %add3A_48, %mul3A_71 : i32
      %add3A_73 = arith.addi %mul3A_4, %mul3A_72 : i32
      %dma_start3A_74 = tpu.memref_slice %arg4[%add3A_73] : memref<56623104xf32, #tpu.memory_space<hbm>> -> memref<18432xf32, #tpu.memory_space<hbm>>
      %dma_start3A_75 = tpu.memref_slice %arg4[%add3A_73] : memref<56623104xf32, #tpu.memory_space<hbm>> -> memref<18432xf32, #tpu.memory_space<hbm>>
      tpu.enqueue_dma source(%arg10 : memref<18432xf32, #tpu.memory_space<vmem>>) target(%dma_start3A_75 : memref<18432xf32, #tpu.memory_space<hbm>>) target_semaphore(%arg14 : memref<!tpu.dma_semaphore, #tpu.memory_space<semaphore_mem>>)
    }
    %scan3A_13 = arith.constant 48 : i32
    %dma_wait3A = tpu.memref_slice %arg4[%mul3A_4] : memref<56623104xf32, #tpu.memory_space<hbm>> -> memref<18432xf32, #tpu.memory_space<hbm>>
    %dma_wait3A_14 = tpu.memref_slice %arg4[%mul3A_4] : memref<56623104xf32, #tpu.memory_space<hbm>> -> memref<18432xf32, #tpu.memory_space<hbm>>
    tpu.wait_dma2 semaphore(%arg13 : memref<!tpu.dma_semaphore, #tpu.memory_space<semaphore_mem>>) src(%arg7 : memref<18432xf32, #tpu.memory_space<vmem>>) dst(%dma_wait3A_14 : memref<18432xf32, #tpu.memory_space<hbm>>)
    %dma_wait3A_15 = tpu.memref_slice %arg4[%mul3A_4] : memref<56623104xf32, #tpu.memory_space<hbm>> -> memref<18432xf32, #tpu.memory_space<hbm>>
    %dma_wait3A_16 = tpu.memref_slice %arg4[%mul3A_4] : memref<56623104xf32, #tpu.memory_space<hbm>> -> memref<18432xf32, #tpu.memory_space<hbm>>
    tpu.wait_dma2 semaphore(%arg14 : memref<!tpu.dma_semaphore, #tpu.memory_space<semaphore_mem>>) src(%arg10 : memref<18432xf32, #tpu.memory_space<vmem>>) dst(%dma_wait3A_16 : memref<18432xf32, #tpu.memory_space<hbm>>)
    return
  }
}

</mosaic_0001>

<sc_bundles>
// kernel: kernel.3.cloned.1.call-start
scs
__scs_entry_jumppad:
0x0: {  	(pc) =	sbr.rel $0x88, $3  }
0x1: {  	(tag) =	ssettag $0x0;
	lr =	simm.s32 $0x1  }
0x2: {  	[smem:$0x3F9F] =	sst lr;
	_ =	strace $0xD0000000  }
0x3: {  	_ = 	snop  }
0x4: {  	_ = 	snop  }
0x5: {  	_ = 	snop  }
0x6: {  	_ = 	snop  }
0x7: {  	_ = 	snop  }
__scs_overlays_trampoline_lowered:
0x8: {  	[smem:$0x3FAE] =	sst s0  }
0x9: {  	[smem:$0x3FAF] =	sst s1  }
0xa: {  	[smem:$0x3FB0] =	sst s2  }
0xb: {  	[smem:$0x3FB1] =	sst s3  }
0xc: {  	[smem:$0x3FB2] =	sst s4  }
0xd: {  	[smem:$0x3FB3] =	sst s5  }
0xe: {  	[smem:$0x3FB4] =	sst s6  }
0xf: {  	[smem:$0x3FB5] =	sst s7  }
0x10: {  	[smem:$0x3FB6] =	sst s8  }
0x11: {  	[smem:$0x3FB7] =	sst s9;
	s0 =	simm.s32 @!p0 $0x0  }
0x12: {  	s1 =	sld [smem:$0x3F9D];
	s0 =	simm.s32 @p0 $0x1  }
0x13: {  	[smem:$0x3FB8] =	sst s0;
	s0 =	simm.s32 @!p1 $0x0  }
0x14: {  	s2 =	sld [smem:$0x3F9C];
	s0 =	simm.s32 @p1 $0x1  }
0x15: {  	[smem:$0x3FB9] =	sst s0;
	s0 =	simm.s32 @!p2 $0x0  }
0x16: {  	s3 =	sld [smem:$0x3FDB];
	s0 =	simm.s32 @p2 $0x1  }
0x17: {  	s4 =	simm.s32 $0x1BF5;
	[smem:$0x3FBB] =	sst s0  }
0x18: {  	s0 =	sld [smem:$0x3F9E];
	_ =	swait.ge [sflag:s4], $0x0  }
0x19: {  	s7 =	sld [smem:$0x3F9F]  }
0x1a: {  	s8 =	sadd.s32 $0xFFFFE003, lr  }
0x1b: {  	s9 =	sadd.s32 $0xFFFFFEF7, lr;
	s5 =	simm.s32 $0xFFFFFFFF;
	p2 =	slt.u32 s8, $0xFFFFF086  }
0x1c: {  	p1 =	slt.u32 s9, $0xF7A;
	s5 =	simm.s32 @!p2 $0x0  }
0x1d: {  	s5 =	simm.s32 @p1 $0x1;
	p0 =	seq.s32 s7, s2  }
0x1e: {  	s7 =	smul.u32 @!p0 $0xF7A, s2;
	p2 =	seq.s32 @!p0 s5, $0x0  }
0x1f: {  	s9 =	smul.u32 $0xF7A, s1;
	s8 =	simm.s32 @!p0 $0x1BF5;
	p2 =	por !p2, p0  }
0x20: {  	[sflag:s8] =	ssyncset.s32 @!p0 $0xFFFFF086;
	s6 =	sadd.s32 @!p0 s3, s7;
	s7 =	simm.s32 @!p0 $0x108  }
0x21: {  	s3 =	sadd.s32 s3, s9;
	s6 =	sadd.s32 @!p0 $0x88, s6;
	s7 =	simm.s32 @p2 $0x1082  }
0x22: {  	[simem:s7], [sflag:s8] =	dma.local @!p0 [hbm:s6], $0xF7A  }
0x23: {  	s9 =	sor.u32 $0xD0000000, s2;
	s6 =	simm.s32 $0x108;
	_ =	swait.ge @!p0 [sflag:s8], $0x0  }
0x24: {  	s3 =	sadd.s32 $0x88, s3;
	s6 =	simm.s32 @!p1 $0x1082;
	[sflag:s4] =	ssyncset.s32 $0xFFFFF086  }
0x25: {  	[simem:s6], [sflag:s4] =	dma.local [hbm:s3], $0xF7A  }
0x26: {  	[smem:$0x3F9F] =	sst s1;
	(tag) =	ssettag s2;
	_ =	strace s9  }
0x27: {  	s1 =	sld [smem:$0x3FAF]  }
0x28: {  	s2 =	sld [smem:$0x3FB0]  }
0x29: {  	s4 =	sld [smem:$0x3FB2]  }
0x2a: {  	p0 =	seq.s32 s5, $0x0;
	s5 =	sld [smem:$0x3FB3]  }
0x2b: {  	s6 =	sld [smem:$0x3FB4]  }
0x2c: {  	s7 =	sld [smem:$0x3FB5]  }
0x2d: {  	s3 =	simm.s32 $0x108;
	s8 =	sld [smem:$0x3FB6]  }
0x2e: {  	s3 =	simm.s32 @!p0 $0x1082;
	s9 =	sld [smem:$0x3FB7]  }
0x2f: {  	lr =	sadd.s32 s0, s3;
	s0 =	sld [smem:$0x3FAE]  }
0x30: {  	s3 =	sld [smem:$0x3FB1]  }
0x31: {  	[smem:$0x3FBA] =	sst s10  }
0x32: {  	s10 =	sld [smem:$0x3FB8];
	_ =	sdelay $0x3  }
0x33: {  	p0 =	seq.s32 s10, $0x1;
	s10 =	sld [smem:$0x3FBA];
	_ =	sdelay $0x3  }
0x34: {  	[smem:$0x3FBA] =	sst s10  }
0x35: {  	s10 =	sld [smem:$0x3FB9];
	_ =	sdelay $0x3  }
0x36: {  	p1 =	seq.s32 s10, $0x1;
	s10 =	sld [smem:$0x3FBA];
	_ =	sdelay $0x3  }
0x37: {  	[smem:$0x3FBA] =	sst s10  }
0x38: {  	s10 =	sld [smem:$0x3FBB]  }
0x39: {  	_ = 	snop;
	(pc) =	sbr.ind lr, $3  }
0x3a: {  	_ = 	snop  }
0x3b: {  	_ = 	snop  }
0x3c: {  	p2 =	seq.s32 s10, $0x1;
	s10 =	sld [smem:$0x3FBA]  }
0x3d: {  	_ =	shalt  }
0x3e: {  	_ =	shalt  }
0x3f: {  	_ =	shalt  }
0x40: {  	_ =	shalt  }
0x41: {  	_ =	shalt  }
0x42: {  	_ =	shalt  }
0x43: {  	_ =	shalt  }
0x44: {  	_ =	shalt  }
0x45: {  	_ =	shalt  }
0x46: {  	_ =	shalt  }
0x47: {  	_ =	shalt  }
0x48: {  	_ =	shalt  }
0x49: {  	_ =	shalt  }
0x4a: {  	_ =	shalt  }
0x4b: {  	_ =	shalt  }
0x4c: {  	_ =	shalt  }
0x4d: {  	_ =	shalt  }
0x4e: {  	_ =	shalt  }
0x4f: {  	_ =	shalt  }
0x50: {  	_ =	shalt  }
0x51: {  	_ =	shalt  }
0x52: {  	_ =	shalt  }
0x53: {  	_ =	shalt  }
0x54: {  	_ =	shalt  }
0x55: {  	_ =	shalt  }
0x56: {  	_ =	shalt  }
0x57: {  	_ =	shalt  }
0x58: {  	_ =	shalt  }
0x59: {  	_ =	shalt  }
0x5a: {  	_ =	shalt  }
0x5b: {  	_ =	shalt  }
0x5c: {  	_ =	shalt  }
0x5d: {  	_ =	shalt  }
0x5e: {  	_ =	shalt  }
0x5f: {  	_ =	shalt  }
0x60: {  	_ =	shalt  }
0x61: {  	_ =	shalt  }
0x62: {  	_ =	shalt  }
0x63: {  	_ =	shalt  }
0x64: {  	_ =	shalt  }
0x65: {  	_ =	shalt  }
0x66: {  	_ =	shalt  }
0x67: {  	_ =	shalt  }
0x68: {  	_ =	shalt  }
0x69: {  	_ =	shalt  }
0x6a: {  	_ =	shalt  }
0x6b: {  	_ =	shalt  }
0x6c: {  	_ =	shalt  }
0x6d: {  	_ =	shalt  }
0x6e: {  	_ =	shalt  }
0x6f: {  	_ =	shalt  }
0x70: {  	_ =	shalt  }
0x71: {  	_ =	shalt  }
0x72: {  	_ =	shalt  }
0x73: {  	_ =	shalt  }
0x74: {  	_ =	shalt  }
0x75: {  	_ =	shalt  }
0x76: {  	_ =	shalt  }
0x77: {  	_ =	shalt  }
0x78: {  	_ =	shalt  }
0x79: {  	_ =	shalt  }
0x7a: {  	_ =	shalt  }
0x7b: {  	_ =	shalt  }
0x7c: {  	_ =	shalt  }
0x7d: {  	_ =	shalt  }
0x7e: {  	_ =	shalt  }
0x7f: {  	_ =	shalt  }
0x80: {  	_ =	shalt  }
0x81: {  	_ =	shalt  }
0x82: {  	_ =	shalt  }
0x83: {  	_ =	shalt  }
0x84: {  	_ =	shalt  }
0x85: {  	_ =	shalt  }
0x86: {  	_ =	shalt  }
0x87: {  	_ =	shalt  }
.Lfunc_end0:
.L_simem_size_0:
called_computation_lowered:
.L_overlay_start_0:
0x88: {  	s2 =	sld [smem:$0x3FD9]  }
0x89: {  	s3 =	sld [smem:$0x3FFE];
	_ =	sdelay $0x1  }
0x8a: {  	s1 =	srdreg.scid  }
0x8b: {  	s0 =	sand.u32 $0x1, s1  }
0x8c: {  	s17 =	sshll.u32 s0, $0xA;
	s2 =	sadd.s32 s3, s2  }
0x8d: {  	s2 =	sadd.s32 s2, s17  }
0x8e: {  	[smem:$0x3FC6] =	sst s2  }
0x8f: {  	_ = 	snop  }
0x90: {  	s2 =	sld [smem:$0x3FD0];
	(tm) =	ssettm $0x1  }
0x91: {  	s18 =	sld [smem:$0x3FFB];
	_ =	sdelay $0x3  }
0x92: {  	_ =	strace s18  }
0x93: {  	s3 =	sld [smem:$0x3FFC];
	_ =	sdelay $0x3  }
0x94: {  	_ =	strace s3  }
0x95: {  	s3 =	sld [smem:$0x3FFD];
	_ =	sdelay $0x3  }
0x96: {  	_ =	strace s3  }
0x97: {  	_ =	strace $0x8FFFFFFF  }
0x98: {  	s19 =	sld [smem:$0x3FDB];
	_ =	sdelay $0x1  }
0x99: {  	s4 =	simm.s32 $_scs_section_size  }
0x9a: {  	s5 =	simm.s32 $_size__tile_overlayer_lowered;
	s6 =	simm.s32 $_tile_overlayer_lowered  }
0x9b: {  	s22 =	simm.s32 $0x1BFF;
	s21 =	sshll.u32 s6, $0x1;
	s3 =	sadd.s32 s4, s19  }
0x9c: {  	s7 =	simm.s32 $0x0;
	s20 =	sshll.u32 s5, $0x1;
	s5 =	sadd.s32 s21, s3  }
0x9d: {  	[timem:s7], [sflag:s22] =	dma.local [hbm:s5], s20  }
0x9e: {  	_ =	swait.ge [sflag:s22], s20  }
0x9f: {  	s4 =	ssub.s32 $0x0, s20;
	[sflag:s22] =	ssyncset.done $0x0  }
0xa0: {  	[sflag:s22] =	ssyncadd.s32 s4;
	_ =	sdelay $0x1  }
0xa1: {  	s23 =	simm.s32 $0x1B8B  }
0xa2: {  	_ =	swait.ge [sflag:s23], $0x1  }
0xa3: {  	[sflag:s23] =	ssyncset.done $0x0  }
0xa4: {  	s25 =	simm.s32 $0x1B8E;
	s24 =	sld [smem:$0x3FFE];
	[sflag:s23] =	ssyncadd.s32 $0xFFFFFFFF  }
0xa5: {  	s26 =	simm.s32 $execute0_lowered;
	[smem:$0x3FD2] =	sst s25  }
0xa6: {  	s5 =	sshll.u32 s26, $0x1;
	_ =	strace $0x80000046;
	[dreg:$0x1] =	wrdreg $0xFFFFFFFF  }
0xa7: {  	s28 =	simm.s32 $_size_execute0_lowered;
	s3 =	sadd.s32 s3, s5;
	[dreg:$0x0] =	wrdreg $0x0  }
0xa8: {  	s5 =	sshll.u32 s28, $0x1;
	[dreg:$0x2] =	wrdreg s3  }
0xa9: {  	[dreg:$0x3] =	wrdreg s5  }
0xaa: {  	[dreg:$0x4] =	wrdreg $0xC0  }
0xab: {  	_ =	task [dreg:s7], $0x5FFFF  }
0xac: {  	[dreg:$0x1] =	wrdreg $0xFFFFFFFF  }
0xad: {  	[dreg:$0x0] =	wrdreg $0x60  }
0xae: {  	[dreg:$0x2] =	wrdreg s2  }
0xaf: {  	[dreg:$0x3] =	wrdreg s24  }
0xb0: {  	[dreg:$0x4] =	wrdreg $0x9  }
0xb1: {  	_ =	task.clear_ibuf [dreg:s7], $0x5FFFF;
	_ =	strace $0x90000046  }
0xb2: {  	s29 =	simm.s32 $0x9;
	_ =	strace $0x80000048  }
0xb3: {  	_ =	swait.ge [sflag:s29], $0x1  }
0xb4: {  	[sflag:s29] =	ssyncadd.s32 $0xFFFFFFFF  }
0xb5: {  	_ =	strace $0x90000048  }
0xb6: {  	_ =	sfence  }
0xb7: {  	s30 =	sld [smem:$0x0];
	_ =	sdelay $0x2  }
0xb8: {  	s31 =	sshll.u32 s1, $0xD;
	s1 =	sshrl.u32 s1, $0x2  }
0xb9: {  	s3 =	sand.u32 $0x4000, s31;
	s1 =	sadd.s32 s1, s30  }
0xba: {  	s0 =	sor.u32 s3, s0;
	s1 =	sshll.u32 s1, $0x11  }
0xbb: {  	s0 =	sor.u32 s1, s0  }
0xbc: {  	s0 =	sadd.s32 $0x8F2B, s0  }
0xbd: {  	[sflag:s0] =	ssyncadd.remote.s32 $0x1  }
0xbe: {  	_ =	sfence.sel $0xFFFF  }
0xbf: {  	[dreg:$0x0] =	wrdreg $0xFFFFFFFF;
	(pc) =	sbr.abs _section_cstart, $3  }
0xc0: {  	[dreg:$0x1] =	wrdreg $0xFFFFFFFF  }
0xc1: {  	_ =	task.clear_ibuf [dreg:s7], $0x2FFFF;
	_ =	strace $0x9FFFFFFF  }
0xc2: {  	(tm) =	ssettm $0x7FFFFFFF  }
0xc3: {  	_ =	shalt  }
tec
execute0_lowered:
.L_overlay_start_1:
0x0: {  	(tag) =	ssettag $0x1  }
0x1: {  	s2 =	rddreg [dreg:$0x0]  }
0x2: {  	s1 =	srdreg.scid;
	s0 =	stileid.u32  }
0x3: {  	s6 =	rddreg [dreg:$0x1];
	s3 =	simm.s32 $0x0;
	s12 =	simm.s32 $0x4800  }
0x4: {  	s13 =	simm.s32 $0xD800;
	s14 =	simm.s32 $0x12000;
	s15 =	simm.s32 $0x1  }
0x5: {  	s16 =	simm.s32 $0x9000;
	s17 =	simm.s32 $0x2;
	s18 =	simm.s32 $0x16800  }
0x6: {  	s19 =	simm.s32 $0x3;
	s20 =	simm.s32 $0x4;
	s21 =	simm.s32 $0x0  }
0x7: {  	s4 =	sand.u32 $0x1, s1;
	s5 =	sshll.u32 s0, $0x1;
	s1 =	rddreg [dreg:$0x2]  }
0x8: {  	[smem:$0x7FF] =	sst s3;
	s5 =	sor.u32 s4, s5;
	s7 =	ssub.s32 $0x2, s4  }
0x9: {  	_ =	strace $0x80000047;
	s4 =	smul.u32 $0x1B0000, s5;
	s8 =	sshrl.u32 s7, $0x1  }
0xa: {  	s5 =	sadd.s32 $0x400, s6;
	s6 =	sadd.s32 $0x6C0400, s6;
	s11 =	ssub.s32 s7, s8  }
0xb: {  	s31 =	sshrl.u32 s4, $0x3;
	s9 =	sor.u32 $0x4800, s4;
	s10 =	sor.u32 $0x9000, s4  }
0xc: {  	s11 =	smax.u32 s11, $0x1;
	s7 =	sadd.s32 s2, s31;
	s8 =	sadd.s32 s5, s31  }
.LBB2_1:
0xd: {  	[tilespmem:s3], [sflag:$0x1] =	stream.linear.gather [hbm4b:s7+s3], $0x4800, $0x38;
	[tilespmem:$0x1B000] =	vst v63  }
0xe: {  	s22 =	simm.s32 $0x0  }
0xf: {  	[tilespmem:s12], [sflag:$0x1] =	stream.linear.gather [hbm4b:s8+s3], $0x4800, $0x38;
	[tilespmem:$0x1B000] =	vst v63  }
.LBB2_2:
0x10: {  	s24 =	smul.u32 $0x9000, s22;
	_ =	sdelay $0x1  }
0x11: {  	s23 =	sadd.s32 s24, s9  }
0x12: {  	s23 =	sshrl.u32 s23, $0x3  }
0x13: {  	p0 =	seq.s32 s22, $0x0;
	s25 =	sadd.s32 s2, s23  }
0x14: {  	[tilespmem:s13], [sflag:$0x2] =	stream.linear.gather [hbm4b:s25+s3], $0x4800, $0x38;
	[tilespmem:$0x1B000] =	vst v63  }
0x15: {  	s31 =	sadd.s32 s5, s23;
	s25 =	simm.s32 @!p0 $0x3  }
0x16: {  	[tilespmem:s14], [sflag:$0x2] =	stream.linear.gather [hbm4b:s31+s3], $0x4800, $0x38;
	[tilespmem:$0x1B000] =	vst v63  }
0x17: {  	_ =	swait.ge @!p0 [sflag:s25], $0x4800  }
0x18: {  	[sflag:s25] =	ssyncset.done @!p0 $0x0  }
0x19: {  	[sflag:s25] =	ssyncadd.s32 @!p0 $0xFFFFB800  }
0x1a: {  	_ =	swait.ge [sflag:s15], $0x4800  }
0x1b: {  	[sflag:s15] =	ssyncset.done $0x0  }
0x1c: {  	[sflag:s15] =	ssyncadd.s32 $0xFFFFB800  }
0x1d: {  	_ =	swait.ge [sflag:s15], $0x4800  }
0x1e: {  	s26 =	simm.s32 $0x48C0;
	[sflag:s15] =	ssyncset.done $0x0  }
0x1f: {  	s28 =	simm.s32 $0x90C0;
	s25 =	simm.s32 $0x0;
	[sflag:s15] =	ssyncadd.s32 $0xFFFFB800  }
.LBB2_3:
0x20: {  	v0 =	vld [tilespmem:s26+$0xFFFFFF40];
	_ =	sdelay $0x4  }
0x21: {  	v0 =	vadd.s32 s25, v0;
	_ =	sdelay $0x4  }
0x22: {  	v0 =	vld.idx.msk [tilespmem:v0+s3+$0x0], $0xffff;
	_ =	sdelay $0x4  }
0x23: {  	[tilespmem:s28+$0xFFFFFF40] =	vst v0  }
0x24: {  	v0 =	vld [tilespmem:s26+$0xFFFFFF50];
	_ =	sdelay $0x4  }
0x25: {  	v0 =	vadd.s32 s25, v0;
	_ =	sdelay $0x4  }
0x26: {  	v0 =	vld.idx.msk [tilespmem:v0+s3+$0x0], $0xffff;
	_ =	sdelay $0x4  }
0x27: {  	[tilespmem:s28+$0xFFFFFF50] =	vst v0  }
0x28: {  	v0 =	vld [tilespmem:s26+$0xFFFFFF60];
	_ =	sdelay $0x4  }
0x29: {  	v0 =	vadd.s32 s25, v0;
	_ =	sdelay $0x4  }
0x2a: {  	v0 =	vld.idx.msk [tilespmem:v0+s3+$0x0], $0xffff;
	_ =	sdelay $0x4  }
0x2b: {  	[tilespmem:s28+$0xFFFFFF60] =	vst v0  }
0x2c: {  	v0 =	vld [tilespmem:s26+$0xFFFFFF70];
	_ =	sdelay $0x4  }
0x2d: {  	v0 =	vadd.s32 s25, v0;
	_ =	sdelay $0x4  }
0x2e: {  	v0 =	vld.idx.msk [tilespmem:v0+s3+$0x0], $0xffff;
	_ =	sdelay $0x4  }
0x2f: {  	[tilespmem:s28+$0xFFFFFF70] =	vst v0  }
0x30: {  	v0 =	vld [tilespmem:s26+$0xFFFFFF80];
	_ =	sdelay $0x4  }
0x31: {  	v0 =	vadd.s32 s25, v0;
	_ =	sdelay $0x4  }
0x32: {  	v0 =	vld.idx.msk [tilespmem:v0+s3+$0x0], $0xffff;
	_ =	sdelay $0x4  }
0x33: {  	[tilespmem:s28+$0xFFFFFF80] =	vst v0  }
0x34: {  	v0 =	vld [tilespmem:s26+$0xFFFFFF90];
	_ =	sdelay $0x4  }
0x35: {  	v0 =	vadd.s32 s25, v0;
	_ =	sdelay $0x4  }
0x36: {  	v0 =	vld.idx.msk [tilespmem:v0+s3+$0x0], $0xffff;
	_ =	sdelay $0x4  }
0x37: {  	[tilespmem:s28+$0xFFFFFF90] =	vst v0  }
0x38: {  	v0 =	vld [tilespmem:s26+$0xFFFFFFA0];
	_ =	sdelay $0x4  }
0x39: {  	v0 =	vadd.s32 s25, v0;
	_ =	sdelay $0x4  }
0x3a: {  	v0 =	vld.idx.msk [tilespmem:v0+s3+$0x0], $0xffff;
	_ =	sdelay $0x4  }
0x3b: {  	[tilespmem:s28+$0xFFFFFFA0] =	vst v0  }
0x3c: {  	v0 =	vld [tilespmem:s26+$0xFFFFFFB0];
	_ =	sdelay $0x4  }
0x3d: {  	v0 =	vadd.s32 s25, v0;
	_ =	sdelay $0x4  }
0x3e: {  	v0 =	vld.idx.msk [tilespmem:v0+s3+$0x0], $0xffff;
	_ =	sdelay $0x4  }
0x3f: {  	[tilespmem:s28+$0xFFFFFFB0] =	vst v0  }
0x40: {  	v0 =	vld [tilespmem:s26+$0xFFFFFFC0];
	_ =	sdelay $0x4  }
0x41: {  	v0 =	vadd.s32 s25, v0;
	_ =	sdelay $0x4  }
0x42: {  	v0 =	vld.idx.msk [tilespmem:v0+s3+$0x0], $0xffff;
	_ =	sdelay $0x4  }
0x43: {  	[tilespmem:s28+$0xFFFFFFC0] =	vst v0  }
0x44: {  	v0 =	vld [tilespmem:s26+$0xFFFFFFD0];
	_ =	sdelay $0x4  }
0x45: {  	v0 =	vadd.s32 s25, v0;
	_ =	sdelay $0x4  }
0x46: {  	v0 =	vld.idx.msk [tilespmem:v0+s3+$0x0], $0xffff;
	_ =	sdelay $0x4  }
0x47: {  	[tilespmem:s28+$0xFFFFFFD0] =	vst v0  }
0x48: {  	v0 =	vld [tilespmem:s26+$0xFFFFFFE0];
	_ =	sdelay $0x4  }
0x49: {  	v0 =	vadd.s32 s25, v0;
	_ =	sdelay $0x4  }
0x4a: {  	v0 =	vld.idx.msk [tilespmem:v0+s3+$0x0], $0xffff;
	_ =	sdelay $0x4  }
0x4b: {  	[tilespmem:s28+$0xFFFFFFE0] =	vst v0  }
0x4c: {  	v0 =	vld [tilespmem:s26+$0xFFFFFFF0];
	_ =	sdelay $0x4  }
0x4d: {  	v0 =	vadd.s32 s25, v0;
	_ =	sdelay $0x4  }
0x4e: {  	v0 =	vld.idx.msk [tilespmem:v0+s3+$0x0], $0xffff;
	_ =	sdelay $0x4  }
0x4f: {  	[tilespmem:s28+$0xFFFFFFF0] =	vst v0  }
0x50: {  	v0 =	vld [tilespmem:s26+$0x0];
	_ =	sdelay $0x4  }
0x51: {  	v0 =	vadd.s32 s25, v0;
	_ =	sdelay $0x4  }
0x52: {  	v0 =	vld.idx.msk [tilespmem:v0+s3+$0x0], $0xffff;
	_ =	sdelay $0x4  }
0x53: {  	[tilespmem:s28+$0x0] =	vst v0  }
0x54: {  	v0 =	vld [tilespmem:s26+$0x10];
	_ =	sdelay $0x4  }
0x55: {  	v0 =	vadd.s32 s25, v0;
	_ =	sdelay $0x4  }
0x56: {  	v0 =	vld.idx.msk [tilespmem:v0+s3+$0x0], $0xffff;
	_ =	sdelay $0x4  }
0x57: {  	[tilespmem:s28+$0x10] =	vst v0  }
0x58: {  	v0 =	vld [tilespmem:s26+$0x20];
	_ =	sdelay $0x4  }
0x59: {  	v0 =	vadd.s32 s25, v0;
	_ =	sdelay $0x4  }
0x5a: {  	v0 =	vld.idx.msk [tilespmem:v0+s3+$0x0], $0xffff;
	_ =	sdelay $0x4  }
0x5b: {  	[tilespmem:s28+$0x20] =	vst v0  }
0x5c: {  	v0 =	vld [tilespmem:s26+$0x30];
	_ =	sdelay $0x4  }
0x5d: {  	v0 =	vadd.s32 s25, v0;
	_ =	sdelay $0x4  }
0x5e: {  	v0 =	vld.idx.msk [tilespmem:v0+s3+$0x0], $0xffff;
	_ =	sdelay $0x4  }
0x5f: {  	[tilespmem:s28+$0x30] =	vst v0  }
0x60: {  	v0 =	vld [tilespmem:s26+$0x40];
	_ =	sdelay $0x4  }
0x61: {  	v0 =	vadd.s32 s25, v0;
	_ =	sdelay $0x4  }
0x62: {  	v0 =	vld.idx.msk [tilespmem:v0+s3+$0x0], $0xffff;
	_ =	sdelay $0x4  }
0x63: {  	[tilespmem:s28+$0x40] =	vst v0  }
0x64: {  	v0 =	vld [tilespmem:s26+$0x50];
	_ =	sdelay $0x4  }
0x65: {  	v0 =	vadd.s32 s25, v0;
	_ =	sdelay $0x4  }
0x66: {  	v0 =	vld.idx.msk [tilespmem:v0+s3+$0x0], $0xffff;
	_ =	sdelay $0x4  }
0x67: {  	[tilespmem:s28+$0x50] =	vst v0  }
0x68: {  	v0 =	vld [tilespmem:s26+$0x60];
	_ =	sdelay $0x4  }
0x69: {  	v0 =	vadd.s32 s25, v0;
	_ =	sdelay $0x4  }
0x6a: {  	v0 =	vld.idx.msk [tilespmem:v0+s3+$0x0], $0xffff;
	_ =	sdelay $0x4  }
0x6b: {  	[tilespmem:s28+$0x60] =	vst v0  }
0x6c: {  	v0 =	vld [tilespmem:s26+$0x70];
	_ =	sdelay $0x4  }
0x6d: {  	v0 =	vadd.s32 s25, v0;
	_ =	sdelay $0x4  }
0x6e: {  	v0 =	vld.idx.msk [tilespmem:v0+s3+$0x0], $0xffff;
	_ =	sdelay $0x4  }
0x6f: {  	[tilespmem:s28+$0x70] =	vst v0  }
0x70: {  	v0 =	vld [tilespmem:s26+$0x80];
	_ =	sdelay $0x4  }
0x71: {  	v0 =	vadd.s32 s25, v0;
	_ =	sdelay $0x4  }
0x72: {  	v0 =	vld.idx.msk [tilespmem:v0+s3+$0x0], $0xffff;
	_ =	sdelay $0x4  }
0x73: {  	[tilespmem:s28+$0x80] =	vst v0  }
0x74: {  	v0 =	vld [tilespmem:s26+$0x90];
	_ =	sdelay $0x4  }
0x75: {  	v0 =	vadd.s32 s25, v0;
	_ =	sdelay $0x4  }
0x76: {  	v0 =	vld.idx.msk [tilespmem:v0+s3+$0x0], $0xffff;
	_ =	sdelay $0x4  }
0x77: {  	[tilespmem:s28+$0x90] =	vst v0  }
0x78: {  	v0 =	vld [tilespmem:s26+$0xA0];
	_ =	sdelay $0x4  }
0x79: {  	v0 =	vadd.s32 s25, v0;
	_ =	sdelay $0x4  }
0x7a: {  	v0 =	vld.idx.msk [tilespmem:v0+s3+$0x0], $0xffff;
	_ =	sdelay $0x4  }
0x7b: {  	[tilespmem:s28+$0xA0] =	vst v0  }
0x7c: {  	v0 =	vld [tilespmem:s26+$0xB0];
	_ =	sdelay $0x4  }
0x7d: {  	v0 =	vadd.s32 s25, v0;
	_ =	sdelay $0x4  }
0x7e: {  	p0 =	sne.s32 s25, $0x4680;
	v0 =	vld.idx.msk [tilespmem:v0+s3+$0x0], $0xffff  }
.Ltmp0:
0x7f: {  	_ = 	snop;
	(pc) =	sbr.rel @p0 .LBB2_3-.Ltmp0, $2  }
0x80: {  	_ =	sdelay $0x2  }
0x81: {  	s26 =	sadd.s32 $0x180, s26;
	s25 =	sadd.s32 $0x180, s25;
	[tilespmem:s28+$0xB0] =	vst v0;
	s28 =	sadd.s32 $0x180, s28  }
0x82: {  	s25 =	sadd.s32 s4, s24;
	p0 =	seq.s32 s22, $0x2F  }
0x83: {  	s25 =	sshrl.u32 s25, $0x3;
	s24 =	sadd.s32 @!p0 s24, s10  }
0x84: {  	s25 =	sadd.s32 s6, s25;
	s24 =	sshrl.u32 @!p0 s24, $0x3  }
0x85: {  	[hbm4b:s25+s3] =	stream.linear.scatter [tilespmem:s16], [sflag:$0x3], $0x4800, $0x38;
	[tilespmem:$0x1B000] =	vst v63  }
0x86: {  	s26 =	simm.s32 @!p0 $0x0;
	s25 =	sadd.s32 @!p0 s2, s24  }
0x87: {  	[tilespmem:s26], [sflag:$0x1] =	stream.linear.gather @!p0 [hbm4b:s25+s26], $0x4800, $0x38;
	[tilespmem:$0x1B000] =	vst v63  }
0x88: {  	p1 =	seq.s32 @!p0 s22, $0x0;
	s24 =	sadd.s32 @!p0 s5, s24;
	s25 =	simm.s32 @!p0 $0x4800  }
0x89: {  	[tilespmem:s25], [sflag:$0x1] =	stream.linear.gather @!p0 [hbm4b:s24+s26], $0x4800, $0x38;
	[tilespmem:$0x1B000] =	vst v63  }
0x8a: {  	p0 =	por p0, !p1  }
0x8b: {  	_ =	swait.ge @p0 [sflag:s20], $0x4800  }
0x8c: {  	[sflag:s20] =	ssyncset.done @p0 $0x0  }
0x8d: {  	[sflag:s20] =	ssyncadd.s32 @p0 $0xFFFFB800  }
0x8e: {  	_ =	swait.ge [sflag:s17], $0x4800  }
0x8f: {  	[sflag:s17] =	ssyncset.done $0x0  }
0x90: {  	[sflag:s17] =	ssyncadd.s32 $0xFFFFB800  }
0x91: {  	_ =	swait.ge [sflag:s17], $0x4800  }
0x92: {  	s24 =	simm.s32 $0x0;
	[sflag:s17] =	ssyncset.done $0x0  }
0x93: {  	s25 =	simm.s32 $0x120C0;
	s26 =	simm.s32 $0x168C0;
	[sflag:s17] =	ssyncadd.s32 $0xFFFFB800  }
.LBB2_5:
0x94: {  	v0 =	vld [tilespmem:s25+$0xFFFFFF40];
	_ =	sdelay $0x4  }
0x95: {  	v0 =	vadd.s32 s24, v0;
	_ =	sdelay $0x4  }
0x96: {  	v0 =	vld.idx.msk [tilespmem:v0+s13+$0x0], $0xffff;
	_ =	sdelay $0x4  }
0x97: {  	[tilespmem:s26+$0xFFFFFF40] =	vst v0  }
0x98: {  	v0 =	vld [tilespmem:s25+$0xFFFFFF50];
	_ =	sdelay $0x4  }
0x99: {  	v0 =	vadd.s32 s24, v0;
	_ =	sdelay $0x4  }
0x9a: {  	v0 =	vld.idx.msk [tilespmem:v0+s13+$0x0], $0xffff;
	_ =	sdelay $0x4  }
0x9b: {  	[tilespmem:s26+$0xFFFFFF50] =	vst v0  }
0x9c: {  	v0 =	vld [tilespmem:s25+$0xFFFFFF60];
	_ =	sdelay $0x4  }
0x9d: {  	v0 =	vadd.s32 s24, v0;
	_ =	sdelay $0x4  }
0x9e: {  	v0 =	vld.idx.msk [tilespmem:v0+s13+$0x0], $0xffff;
	_ =	sdelay $0x4  }
0x9f: {  	[tilespmem:s26+$0xFFFFFF60] =	vst v0  }
0xa0: {  	v0 =	vld [tilespmem:s25+$0xFFFFFF70];
	_ =	sdelay $0x4  }
0xa1: {  	v0 =	vadd.s32 s24, v0;
	_ =	sdelay $0x4  }
0xa2: {  	v0 =	vld.idx.msk [tilespmem:v0+s13+$0x0], $0xffff;
	_ =	sdelay $0x4  }
0xa3: {  	[tilespmem:s26+$0xFFFFFF70] =	vst v0  }
0xa4: {  	v0 =	vld [tilespmem:s25+$0xFFFFFF80];
	_ =	sdelay $0x4  }
0xa5: {  	v0 =	vadd.s32 s24, v0;
	_ =	sdelay $0x4  }
0xa6: {  	v0 =	vld.idx.msk [tilespmem:v0+s13+$0x0], $0xffff;
	_ =	sdelay $0x4  }
0xa7: {  	[tilespmem:s26+$0xFFFFFF80] =	vst v0  }
0xa8: {  	v0 =	vld [tilespmem:s25+$0xFFFFFF90];
	_ =	sdelay $0x4  }
0xa9: {  	v0 =	vadd.s32 s24, v0;
	_ =	sdelay $0x4  }
0xaa: {  	v0 =	vld.idx.msk [tilespmem:v0+s13+$0x0], $0xffff;
	_ =	sdelay $0x4  }
0xab: {  	[tilespmem:s26+$0xFFFFFF90] =	vst v0  }
0xac: {  	v0 =	vld [tilespmem:s25+$0xFFFFFFA0];
	_ =	sdelay $0x4  }
0xad: {  	v0 =	vadd.s32 s24, v0;
	_ =	sdelay $0x4  }
0xae: {  	v0 =	vld.idx.msk [tilespmem:v0+s13+$0x0], $0xffff;
	_ =	sdelay $0x4  }
0xaf: {  	[tilespmem:s26+$0xFFFFFFA0] =	vst v0  }
0xb0: {  	v0 =	vld [tilespmem:s25+$0xFFFFFFB0];
	_ =	sdelay $0x4  }
0xb1: {  	v0 =	vadd.s32 s24, v0;
	_ =	sdelay $0x4  }
0xb2: {  	v0 =	vld.idx.msk [tilespmem:v0+s13+$0x0], $0xffff;
	_ =	sdelay $0x4  }
0xb3: {  	[tilespmem:s26+$0xFFFFFFB0] =	vst v0  }
0xb4: {  	v0 =	vld [tilespmem:s25+$0xFFFFFFC0];
	_ =	sdelay $0x4  }
0xb5: {  	v0 =	vadd.s32 s24, v0;
	_ =	sdelay $0x4  }
0xb6: {  	v0 =	vld.idx.msk [tilespmem:v0+s13+$0x0], $0xffff;
	_ =	sdelay $0x4  }
0xb7: {  	[tilespmem:s26+$0xFFFFFFC0] =	vst v0  }
0xb8: {  	v0 =	vld [tilespmem:s25+$0xFFFFFFD0];
	_ =	sdelay $0x4  }
0xb9: {  	v0 =	vadd.s32 s24, v0;
	_ =	sdelay $0x4  }
0xba: {  	v0 =	vld.idx.msk [tilespmem:v0+s13+$0x0], $0xffff;
	_ =	sdelay $0x4  }
0xbb: {  	[tilespmem:s26+$0xFFFFFFD0] =	vst v0  }
0xbc: {  	v0 =	vld [tilespmem:s25+$0xFFFFFFE0];
	_ =	sdelay $0x4  }
0xbd: {  	v0 =	vadd.s32 s24, v0;
	_ =	sdelay $0x4  }
0xbe: {  	v0 =	vld.idx.msk [tilespmem:v0+s13+$0x0], $0xffff;
	_ =	sdelay $0x4  }
0xbf: {  	[tilespmem:s26+$0xFFFFFFE0] =	vst v0  }
0xc0: {  	v0 =	vld [tilespmem:s25+$0xFFFFFFF0];
	_ =	sdelay $0x4  }
0xc1: {  	v0 =	vadd.s32 s24, v0;
	_ =	sdelay $0x4  }
0xc2: {  	v0 =	vld.idx.msk [tilespmem:v0+s13+$0x0], $0xffff;
	_ =	sdelay $0x4  }
0xc3: {  	[tilespmem:s26+$0xFFFFFFF0] =	vst v0  }
0xc4: {  	v0 =	vld [tilespmem:s25+$0x0];
	_ =	sdelay $0x4  }
0xc5: {  	v0 =	vadd.s32 s24, v0;
	_ =	sdelay $0x4  }
0xc6: {  	v0 =	vld.idx.msk [tilespmem:v0+s13+$0x0], $0xffff;
	_ =	sdelay $0x4  }
0xc7: {  	[tilespmem:s26+$0x0] =	vst v0  }
0xc8: {  	v0 =	vld [tilespmem:s25+$0x10];
	_ =	sdelay $0x4  }
0xc9: {  	v0 =	vadd.s32 s24, v0;
	_ =	sdelay $0x4  }
0xca: {  	v0 =	vld.idx.msk [tilespmem:v0+s13+$0x0], $0xffff;
	_ =	sdelay $0x4  }
0xcb: {  	[tilespmem:s26+$0x10] =	vst v0  }
0xcc: {  	v0 =	vld [tilespmem:s25+$0x20];
	_ =	sdelay $0x4  }
0xcd: {  	v0 =	vadd.s32 s24, v0;
	_ =	sdelay $0x4  }
0xce: {  	v0 =	vld.idx.msk [tilespmem:v0+s13+$0x0], $0xffff;
	_ =	sdelay $0x4  }
0xcf: {  	[tilespmem:s26+$0x20] =	vst v0  }
0xd0: {  	v0 =	vld [tilespmem:s25+$0x30];
	_ =	sdelay $0x4  }
0xd1: {  	v0 =	vadd.s32 s24, v0;
	_ =	sdelay $0x4  }
0xd2: {  	v0 =	vld.idx.msk [tilespmem:v0+s13+$0x0], $0xffff;
	_ =	sdelay $0x4  }
0xd3: {  	[tilespmem:s26+$0x30] =	vst v0  }
0xd4: {  	v0 =	vld [tilespmem:s25+$0x40];
	_ =	sdelay $0x4  }
0xd5: {  	v0 =	vadd.s32 s24, v0;
	_ =	sdelay $0x4  }
0xd6: {  	v0 =	vld.idx.msk [tilespmem:v0+s13+$0x0], $0xffff;
	_ =	sdelay $0x4  }
0xd7: {  	[tilespmem:s26+$0x40] =	vst v0  }
0xd8: {  	v0 =	vld [tilespmem:s25+$0x50];
	_ =	sdelay $0x4  }
0xd9: {  	v0 =	vadd.s32 s24, v0;
	_ =	sdelay $0x4  }
0xda: {  	v0 =	vld.idx.msk [tilespmem:v0+s13+$0x0], $0xffff;
	_ =	sdelay $0x4  }
0xdb: {  	[tilespmem:s26+$0x50] =	vst v0  }
0xdc: {  	v0 =	vld [tilespmem:s25+$0x60];
	_ =	sdelay $0x4  }
0xdd: {  	v0 =	vadd.s32 s24, v0;
	_ =	sdelay $0x4  }
0xde: {  	v0 =	vld.idx.msk [tilespmem:v0+s13+$0x0], $0xffff;
	_ =	sdelay $0x4  }
0xdf: {  	[tilespmem:s26+$0x60] =	vst v0  }
0xe0: {  	v0 =	vld [tilespmem:s25+$0x70];
	_ =	sdelay $0x4  }
0xe1: {  	v0 =	vadd.s32 s24, v0;
	_ =	sdelay $0x4  }
0xe2: {  	v0 =	vld.idx.msk [tilespmem:v0+s13+$0x0], $0xffff;
	_ =	sdelay $0x4  }
0xe3: {  	[tilespmem:s26+$0x70] =	vst v0  }
0xe4: {  	v0 =	vld [tilespmem:s25+$0x80];
	_ =	sdelay $0x4  }
0xe5: {  	v0 =	vadd.s32 s24, v0;
	_ =	sdelay $0x4  }
0xe6: {  	v0 =	vld.idx.msk [tilespmem:v0+s13+$0x0], $0xffff;
	_ =	sdelay $0x4  }
0xe7: {  	[tilespmem:s26+$0x80] =	vst v0  }
0xe8: {  	v0 =	vld [tilespmem:s25+$0x90];
	_ =	sdelay $0x4  }
0xe9: {  	v0 =	vadd.s32 s24, v0;
	_ =	sdelay $0x4  }
0xea: {  	v0 =	vld.idx.msk [tilespmem:v0+s13+$0x0], $0xffff;
	_ =	sdelay $0x4  }
0xeb: {  	[tilespmem:s26+$0x90] =	vst v0  }
0xec: {  	v0 =	vld [tilespmem:s25+$0xA0];
	_ =	sdelay $0x4  }
0xed: {  	v0 =	vadd.s32 s24, v0;
	_ =	sdelay $0x4  }
0xee: {  	v0 =	vld.idx.msk [tilespmem:v0+s13+$0x0], $0xffff;
	_ =	sdelay $0x4  }
0xef: {  	[tilespmem:s26+$0xA0] =	vst v0  }
0xf0: {  	v0 =	vld [tilespmem:s25+$0xB0];
	_ =	sdelay $0x4  }
0xf1: {  	v0 =	vadd.s32 s24, v0;
	_ =	sdelay $0x4  }
0xf2: {  	p0 =	sne.s32 s24, $0x4680;
	v0 =	vld.idx.msk [tilespmem:v0+s13+$0x0], $0xffff  }
.Ltmp1:
0xf3: {  	_ = 	snop;
	(pc) =	sbr.rel @p0 .LBB2_5-.Ltmp1, $2  }
0xf4: {  	_ =	sdelay $0x2  }
0xf5: {  	s25 =	sadd.s32 $0x180, s25;
	s24 =	sadd.s32 $0x180, s24;
	[tilespmem:s26+$0xB0] =	vst v0;
	s26 =	sadd.s32 $0x180, s26  }
0xf6: {  	s22 =	sadd.s32 $0x1, s22  }
0xf7: {  	p0 =	sne.s32 s22, $0x30  }
.Ltmp2:
0xf8: {  	_ = 	snop;
	(pc) =	sbr.rel @p0 .LBB2_2-.Ltmp2, $3  }
0xf9: {  	_ =	sdelay $0x1  }
0xfa: {  	s23 =	sadd.s32 s6, s23  }
0xfb: {  	[hbm4b:s23+s3] =	stream.linear.scatter [tilespmem:s18], [sflag:$0x4], $0x4800, $0x38;
	[tilespmem:$0x1B000] =	vst v63  }
0xfc: {  	s21 =	sadd.s32 $0x1, s21  }
0xfd: {  	_ =	swait.ge [sflag:s19], $0x4800;
	p0 =	sne.s32 s21, s11  }
.Ltmp3:
0xfe: {  	[sflag:s19] =	ssyncset.done $0x0;
	(pc) =	sbr.rel @p0 .LBB2_1-.Ltmp3, $4  }
0xff: {  	[sflag:s19] =	ssyncadd.s32 $0xFFFFB800  }
0x100: {  	_ =	swait.ge [sflag:s20], $0x4800  }
0x101: {  	[sflag:s20] =	ssyncset.done $0x0  }
0x102: {  	[sflag:s20] =	ssyncadd.s32 $0xFFFFB800  }
0x103: {  	_ =	sfence.sel $0x180000  }
0x104: {  	[bflag:$0x0] =	sbarrier.arrive $0xFFFF  }
0x105: {  	p0 =	sne.s32 s0, $0x0;
	_ =	strace $0x90000047  }
0x106: {  	s0 =	sadd.s32 @!p0 $0x100000, s1;
	[bflag:$0x2] =	sbarrier.arrive $0xFFFF  }
0x107: {  	[sflag:s0] =	ssyncadd.tile.s32 @!p0 $0x1;
	_ =	shalt  }
.Lfunc_end2:
_tile_overlayer_lowered:
.L_overlay_start_2:
0x108: {  	(tag) =	ssettag $0x2  }
0x109: {  	s0 =	rddreg [dreg:$0x0];
	s2 =	stileid.u32  }
0x10a: {  	s1 =	rddreg [dreg:$0x1];
	p0 =	sne.s32 s2, $0x0  }
0x10b: {  	s3 =	rddreg [dreg:$0x2];
	[bflag:$0x3] =	sbarrier.arrive $0xFFFF;
	s2 =	simm.s32 @!p0 $0x1C05  }
0x10c: {  	[timem:s3], [sflag:s2] =	dma.local @!p0 [hbm:s0], s1  }
0x10d: {  	s0 =	simm.s32 @!p0 $0x5  }
0x10e: {  	_ =	swait.ge @!p0 [sflag:s0], s1  }
0x10f: {  	s1 =	ssub.s32 @!p0 $0x0, s1;
	[sflag:s0] =	ssyncset.done @!p0 $0x0  }
0x110: {  	[sflag:s0] =	ssyncadd.s32 @!p0 s1  }
0x111: {  	[bflag:$0x3] =	sbarrier.arrive $0xFFFF  }
0x112: {  	_ =	shalt  }

</sc_bundles>
